<compile_context>
chip_gen: v7x
topology: tpu7x:2x2x1
jax: 0.10.2.dev20260603
libtpu: 0.0.44.dev20260713+nightly
codegen_flags: <defaults>
</compile_context>

<pallas_src>
import functools

import jax
import jax.numpy as jnp
from jax import lax
from jax.experimental import pallas as pl
from jax.experimental.pallas import tpu as pltpu
from jax.experimental.pallas import tpu_sc as plsc

ALL_VARS = 1048576
BATCH = 16384
N_NODES = 5
N_STATES = 16


_LANES = 128
_ROWS = ALL_VARS // _LANES
_GRID = 2
_BLK_ROWS = _ROWS // _GRID // 8


_CH = 8


def _half_stats(ref, m_new):
    blk = ref[...].reshape(_CH, _BLK_ROWS // (8 * _CH), 8, _LANES)
    s8 = jnp.sum(jnp.exp(blk - m_new[None, None]), axis=1)
    return jnp.sum(s8, axis=0)


def _half_max(ref):
    blk = ref[...].reshape(_CH, _BLK_ROWS // (8 * _CH), 8, _LANES)
    return jnp.max(jnp.max(blk, axis=1), axis=0)


def _lse_body(*args):
    (xa_ref, xb_ref, xc_ref, xd_ref, xe_ref, xf_ref, xg_ref, xh_ref,
     out_ref, m_vec, s_vec) = args
    refs = (xa_ref, xb_ref, xc_ref, xd_ref, xe_ref, xf_ref, xg_ref, xh_ref)
    i = pl.program_id(0)
    bm = _half_max(refs[0])
    for r in refs[1:]:
        bm = jnp.maximum(bm, _half_max(r))

    @pl.when(i == 0)
    def _init():
        m_vec[...] = jnp.full((8, _LANES), -jnp.inf, jnp.float32)
        s_vec[...] = jnp.zeros((8, _LANES), jnp.float32)

    m_old = m_vec[...]
    m_new = jnp.maximum(m_old, bm)
    s_tot = s_vec[...] * jnp.exp(m_old - m_new)
    for r in refs:
        s_tot = s_tot + _half_stats(r, m_new)
    s_vec[...] = s_tot
    m_vec[...] = m_new

    @pl.when(i == _GRID - 1)
    def _fin():
        m_fin = jnp.max(m_new)
        s_fin = jnp.sum(s_vec[...] * jnp.exp(m_vec[...] - m_fin))
        out_ref[...] = jnp.full((8, _LANES), m_fin + jnp.log(s_fin),
                                jnp.float32)


def _logsumexp(logits2d):
    return pl.pallas_call(
        _lse_body,
        grid=(_GRID,),
        in_specs=[pl.BlockSpec((_BLK_ROWS, _LANES),
                               (lambda k: (lambda i: (8 * i + k, 0)))(k))
                  for k in range(8)],
        out_specs=pl.BlockSpec((8, _LANES), lambda i: (0, 0)),
        out_shape=jax.ShapeDtypeStruct((8, _LANES), jnp.float32),
        scratch_shapes=[pltpu.VMEM((8, _LANES), jnp.float32),
                        pltpu.VMEM((8, _LANES), jnp.float32)],
    )(*([logits2d] * 8))



_NC = 1
_NS = 16
_NW = _NC * _NS
_BPW = BATCH // _NW
_NROW = _BPW // 128

_sc_mesh = plsc.VectorSubcoreMesh(core_axis_name="c", subcore_axis_name="s",
                                  num_cores=1)


@functools.partial(
    pl.kernel,
    mesh=_sc_mesh,
    out_type=jax.ShapeDtypeStruct((_NW * _NROW, 128), jnp.float32),
    scratch_types=[
        pltpu.VMEM((N_NODES, _BPW), jnp.int32),
        pltpu.VMEM((_NROW, 128), jnp.int32),
        pltpu.VMEM((_NROW, 128), jnp.float32),
        pltpu.SemaphoreType.DMA,
    ],
)
def _sc_gather(xt_hbm, logits_hbm, out_hbm, xbuf, idxbuf, valbuf, sem):
    wid = lax.axis_index("s") * _NC + lax.axis_index("c")
    base = wid * _BPW
    pltpu.sync_copy(xt_hbm.at[:, pl.ds(base, _BPW)], xbuf)

    def _build(h, carry):
        for u in range(2):
            g = h * 2 + u
            off = g * 16
            acc = xbuf[0, pl.ds(off, 16)]
            for i in range(1, N_NODES):
                acc = acc * N_STATES + xbuf[i, pl.ds(off, 16)]
            idxbuf[g // 8, pl.ds((g % 8) * 16, 16)] = acc
        return carry

    lax.fori_loop(0, _BPW // 32, _build, 0)
    copies = [
        pltpu.async_copy(logits_hbm.at[idxbuf.at[j]], valbuf.at[j], sem)
        for j in range(_NROW)
    ]
    for cp in copies:
        cp.wait()
    pltpu.sync_copy(valbuf, out_hbm.at[pl.ds(wid * _NROW, _NROW), :])




def _combine_body(g_ref, lz_ref, o_ref):
    o_ref[...] = g_ref[...] - lz_ref[0, 0]


def _combine(gathered2d, logz):
    return pl.pallas_call(
        _combine_body,
        out_shape=jax.ShapeDtypeStruct(gathered2d.shape, jnp.float32),
    )(gathered2d, logz)


def kernel(x, logits):
    gathered = _sc_gather(x.T, logits)
    logz = _logsumexp(logits.reshape(_ROWS, _LANES))
    return _combine(gathered, logz).reshape(BATCH)

# --- scband reference (transcript-rebuilt; emitter-appended) ---
"""Pipeline reference for scband-joint-density-mlp-80625126080551 (READ-ONLY COPY).

The authoritative reference and input builder live on the scoring server;
editing this copy changes nothing except your own understanding.
"""

import jax, jax.numpy as jnp
import numpy as np

N_STATES_LIST = [16, 16, 16, 16, 16]
N_NODES = len(N_STATES_LIST)
ALL_VARS = int(np.prod(N_STATES_LIST))  # 1048576
BATCH = 16384


def setup_inputs(seed: int = 0) -> dict:
    key = jax.random.key(seed)
    k1, k2 = jax.random.split(key)
    # Batch of complete assignments: x[b, i] in [0, n_states_i)
    x = jax.random.randint(k1, (BATCH, N_NODES), 0, 16, dtype=jnp.int32)
    # Learned parameter of UnconditionalDensityVector(all_vars): unnormalized logits
    logits = jax.random.normal(k2, (ALL_VARS,), dtype=jnp.float32) * 0.02
    return {"x": x, "logits": logits}


def reference(x, logits):
    # UnconditionalDensityVector.__call__() -> normalized log-probs over the
    # full joint state space (all_vars = prod(n_states_list)).
    log_probs = jax.nn.log_softmax(logits)
    # likelihood(x), vmapped over the batch dim (in_axes=(None, 0)):
    #   flat_x = jnp.ravel_multi_index(x, sample_shape, mode='clip')
    #   return self.model()[flat_x]
    idx = tuple(x[:, i] for i in range(N_NODES))
    flat_x = jnp.ravel_multi_index(idx, tuple(N_STATES_LIST), mode='clip')
    return log_probs[flat_x]

if __name__ == "__main__":
    import jax
    _d = setup_inputs()
    print(jax.jit(kernel)(*tuple(_d.values())))

</pallas_src>

<mosaic_0001>
#map = affine_map<(d0, d1) -> (0, 0)>
#map1 = affine_map<(d0, d1) -> (0)>
module attributes {stable_mosaic.version = 14 : i64} {
  func.func @_sc_gather(%arg0: i32, %arg1: i32, %arg2: memref<5x16384xi32, #tpu.memory_space<hbm>>, %arg3: memref<1048576xf32, #tpu.memory_space<hbm>>, %arg4: memref<128x128xf32, #tpu.memory_space<hbm>>, %arg5: memref<5x1024xi32, #tpu.memory_space<vmem>>, %arg6: memref<8x128xi32, #tpu.memory_space<vmem>>, %arg7: memref<8x128xf32, #tpu.memory_space<vmem>>, %arg8: memref<!tpu.dma_semaphore, #tpu.memory_space<semaphore_mem>>) attributes {dimension_semantics = [#tpu.dimension_semantics<core_parallel>, #tpu.dimension_semantics<subcore_parallel>], iteration_bounds = array<i64: 1, 16>, scalar_prefetch = 0 : i64, scratch_operands = 4 : i64, tpu.core_type = #tpu.core_type<sc_vector_subcore>, window_params = [{transform_indices = #map}, {transform_indices = #map1}, {transform_indices = #map}]} {
    %mul3A = arith.constant 1 : i32
    %mul3A_0 = arith.muli %arg1, %mul3A : i32
    %add3A = arith.addi %mul3A_0, %arg0 : i32
    %mul3A_1 = arith.constant 1024 : i32
    %mul3A_2 = arith.muli %add3A, %mul3A_1 : i32
    "tpu.region"() ({
      %run_scoped3A = tpu.sem_alloc : memref<!tpu.dma_semaphore, #tpu.memory_space<semaphore_mem>>
      %dma_start3A_168 = arith.constant 0 : i32
      %dma_start3A_169 = tpu.memref_slice %arg2[%dma_start3A_168, %mul3A_2] : memref<5x16384xi32, #tpu.memory_space<hbm>> -> memref<5x1024xi32, #tpu.memory_space<hbm>>
      %dma_start3A_170 = arith.constant 0 : i32
      %dma_start3A_171 = tpu.memref_slice %arg2[%dma_start3A_170, %mul3A_2] : memref<5x16384xi32, #tpu.memory_space<hbm>> -> memref<5x1024xi32, #tpu.memory_space<hbm>>
      tpu.enqueue_dma source(%dma_start3A_171 : memref<5x1024xi32, #tpu.memory_space<hbm>>) target(%arg5 : memref<5x1024xi32, #tpu.memory_space<vmem>>) target_semaphore(%run_scoped3A : memref<!tpu.dma_semaphore, #tpu.memory_space<semaphore_mem>>)
      %dma_wait3A_172 = arith.constant 0 : i32
      %dma_wait3A_173 = tpu.memref_slice %arg2[%dma_wait3A_172, %mul3A_2] : memref<5x16384xi32, #tpu.memory_space<hbm>> -> memref<5x1024xi32, #tpu.memory_space<hbm>>
      %dma_wait3A_174 = arith.constant 0 : i32
      %dma_wait3A_175 = tpu.memref_slice %arg2[%dma_wait3A_174, %mul3A_2] : memref<5x16384xi32, #tpu.memory_space<hbm>> -> memref<5x1024xi32, #tpu.memory_space<hbm>>
      tpu.wait_dma2 semaphore(%run_scoped3A : memref<!tpu.dma_semaphore, #tpu.memory_space<semaphore_mem>>) src(%dma_wait3A_175 : memref<5x1024xi32, #tpu.memory_space<hbm>>) dst(%arg5 : memref<5x1024xi32, #tpu.memory_space<vmem>>)
      tpu.yield
    }) : () -> ()
    %scan3A = arith.constant 0 : i32
    %scan3A_3 = arith.constant 0 : i32
    %scan3A_4 = arith.constant 32 : i32
    %scan3A_5 = arith.addi %scan3A_3, %scan3A_4 : i32
    %scan3A_6 = arith.constant 1 : i32
    scf.for %scan3A_168 = %scan3A_3 to %scan3A_5 step %scan3A_6  : i32 {
      %mul3A_169 = arith.constant 2 : i32
      %mul3A_170 = arith.muli %scan3A_168, %mul3A_169 : i32
      %add3A_171 = arith.constant 0 : i32
      %add3A_172 = arith.addi %mul3A_170, %add3A_171 : i32
      %mul3A_173 = arith.constant 16 : i32
      %mul3A_174 = arith.muli %add3A_172, %mul3A_173 : i32
      %get3A = arith.constant 0 : i32
      %get3A_175 = arith.index_cast %get3A : i32 to index
      %get3A_176 = arith.index_cast %mul3A_174 : i32 to index
      %get3A_177 = tpu.vector_load %arg5[%get3A_175, %get3A_176] {strides = array<i32>} : memref<5x1024xi32, #tpu.memory_space<vmem>>, vector<1x16xi32>,
      %get3A_178 = vector.shape_cast %get3A_177 : vector<1x16xi32> to vector<16xi32>
      %mul3A_179 = arith.constant 16 : i32
      %mul3A_180 = vector.broadcast %mul3A_179 : i32 to vector<16xi32>
      %mul3A_181 = arith.muli %get3A_178, %mul3A_180 : vector<16xi32>
      %get3A_182 = arith.constant 1 : i32
      %get3A_183 = arith.index_cast %get3A_182 : i32 to index
      %get3A_184 = arith.index_cast %mul3A_174 : i32 to index
      %get3A_185 = tpu.vector_load %arg5[%get3A_183, %get3A_184] {strides = array<i32>} : memref<5x1024xi32, #tpu.memory_space<vmem>>, vector<1x16xi32>,
      %get3A_186 = vector.shape_cast %get3A_185 : vector<1x16xi32> to vector<16xi32>
      %add3A_187 = arith.addi %mul3A_181, %get3A_186 : vector<16xi32>
      %mul3A_188 = arith.constant 16 : i32
      %mul3A_189 = vector.broadcast %mul3A_188 : i32 to vector<16xi32>
      %mul3A_190 = arith.muli %add3A_187, %mul3A_189 : vector<16xi32>
      %get3A_191 = arith.constant 2 : i32
      %get3A_192 = arith.index_cast %get3A_191 : i32 to index
      %get3A_193 = arith.index_cast %mul3A_174 : i32 to index
      %get3A_194 = tpu.vector_load %arg5[%get3A_192, %get3A_193] {strides = array<i32>} : memref<5x1024xi32, #tpu.memory_space<vmem>>, vector<1x16xi32>,
      %get3A_195 = vector.shape_cast %get3A_194 : vector<1x16xi32> to vector<16xi32>
      %add3A_196 = arith.addi %mul3A_190, %get3A_195 : vector<16xi32>
      %mul3A_197 = arith.constant 16 : i32
      %mul3A_198 = vector.broadcast %mul3A_197 : i32 to vector<16xi32>
      %mul3A_199 = arith.muli %add3A_196, %mul3A_198 : vector<16xi32>
      %get3A_200 = arith.constant 3 : i32
      %get3A_201 = arith.index_cast %get3A_200 : i32 to index
      %get3A_202 = arith.index_cast %mul3A_174 : i32 to index
      %get3A_203 = tpu.vector_load %arg5[%get3A_201, %get3A_202] {strides = array<i32>} : memref<5x1024xi32, #tpu.memory_space<vmem>>, vector<1x16xi32>,
      %get3A_204 = vector.shape_cast %get3A_203 : vector<1x16xi32> to vector<16xi32>
      %add3A_205 = arith.addi %mul3A_199, %get3A_204 : vector<16xi32>
      %mul3A_206 = arith.constant 16 : i32
      %mul3A_207 = vector.broadcast %mul3A_206 : i32 to vector<16xi32>
      %mul3A_208 = arith.muli %add3A_205, %mul3A_207 : vector<16xi32>
      %get3A_209 = arith.constant 4 : i32
      %get3A_210 = arith.index_cast %get3A_209 : i32 to index
      %get3A_211 = arith.index_cast %mul3A_174 : i32 to index
      %get3A_212 = tpu.vector_load %arg5[%get3A_210, %get3A_211] {strides = array<i32>} : memref<5x1024xi32, #tpu.memory_space<vmem>>, vector<1x16xi32>,
      %get3A_213 = vector.shape_cast %get3A_212 : vector<1x16xi32> to vector<16xi32>
      %add3A_214 = arith.addi %mul3A_208, %get3A_213 : vector<16xi32>
      %jit3A = arith.constant 8 : i32
      %div3A = arith.divsi %add3A_172, %jit3A : i32
      %sign3A = arith.constant 0 : i32
      %sign3A_215 = arith.cmpi sgt, %add3A_172, %sign3A : i32
      %sign3A_216 = arith.extui %sign3A_215 : i1 to i32
      %sign3A_217 = arith.constant 0 : i32
      %sign3A_218 = arith.cmpi slt, %add3A_172, %sign3A_217 : i32
      %sign3A_219 = arith.extui %sign3A_218 : i1 to i32
      %sign3A_220 = arith.subi %sign3A_216, %sign3A_219 : i32
      %sign3A_221 = arith.constant 0 : i32
      %sign3A_222 = arith.cmpi sgt, %jit3A, %sign3A_221 : i32
      %sign3A_223 = arith.extui %sign3A_222 : i1 to i32
      %sign3A_224 = arith.constant 0 : i32
      %sign3A_225 = arith.cmpi slt, %jit3A, %sign3A_224 : i32
      %sign3A_226 = arith.extui %sign3A_225 : i1 to i32
      %sign3A_227 = arith.subi %sign3A_223, %sign3A_226 : i32
      %ne3A = arith.cmpi ne, %sign3A_220, %sign3A_227 : i32
      %rem3A = arith.remsi %add3A_172, %jit3A : i32
      %ne3A_228 = arith.constant 0 : i32
      %ne3A_229 = arith.cmpi ne, %rem3A, %ne3A_228 : i32
      %and3A = arith.andi %ne3A, %ne3A_229 : i1
      %sub3A = arith.constant 1 : i32
      %sub3A_230 = arith.subi %div3A, %sub3A : i32
      %select_n3A = arith.select %and3A, %sub3A_230, %div3A : i32
      %jit3A_231 = arith.constant 8 : i32
      %eq3A = arith.constant 0 : i32
      %eq3A_232 = arith.cmpi eq, %jit3A_231, %eq3A : i32
      %jit3A_233 = arith.constant 1 : i32
      %select_n3A_234 = arith.select %eq3A_232, %jit3A_233, %jit3A_231 : i32
      %rem3A_235 = arith.remsi %add3A_172, %select_n3A_234 : i32
      %ne3A_236 = arith.constant 0 : i32
      %ne3A_237 = arith.cmpi ne, %rem3A_235, %ne3A_236 : i32
      %lt3A = arith.constant 0 : i32
      %lt3A_238 = arith.cmpi slt, %rem3A_235, %lt3A : i32
      %lt3A_239 = arith.constant 0 : i32
      %lt3A_240 = arith.cmpi slt, %select_n3A_234, %lt3A_239 : i32
      %ne3A_241 = arith.xori %lt3A_238, %lt3A_240 : i1
      %and3A_242 = arith.andi %ne3A_241, %ne3A_237 : i1
      %add3A_243 = arith.addi %rem3A_235, %select_n3A_234 : i32
      %select_n3A_244 = arith.select %and3A_242, %add3A_243, %rem3A_235 : i32
      %mul3A_245 = arith.constant 16 : i32
      %mul3A_246 = arith.muli %select_n3A_244, %mul3A_245 : i32
      %swap3A = arith.index_cast %select_n3A : i32 to index
      %swap3A_247 = arith.index_cast %mul3A_246 : i32 to index
      %swap3A_248 = tpu.vector_load %arg6[%swap3A, %swap3A_247] {strides = array<i32>} : memref<8x128xi32, #tpu.memory_space<vmem>>, vector<1x16xi32>,
      %swap3A_249 = vector.shape_cast %swap3A_248 : vector<1x16xi32> to vector<16xi32>
      %swap3A_250 = vector.shape_cast %add3A_214 : vector<16xi32> to vector<1x16xi32>
      tpu.vector_store %arg6[%swap3A, %swap3A_247], %swap3A_250 {strides = array<i32>} : memref<8x128xi32, #tpu.memory_space<vmem>>, vector<1x16xi32>,
      %mul3A_251 = arith.constant 2 : i32
      %mul3A_252 = arith.muli %scan3A_168, %mul3A_251 : i32
      %add3A_253 = arith.constant 1 : i32
      %add3A_254 = arith.addi %mul3A_252, %add3A_253 : i32
      %mul3A_255 = arith.constant 16 : i32
      %mul3A_256 = arith.muli %add3A_254, %mul3A_255 : i32
      %get3A_257 = arith.constant 0 : i32
      %get3A_258 = arith.index_cast %get3A_257 : i32 to index
      %get3A_259 = arith.index_cast %mul3A_256 : i32 to index
      %get3A_260 = tpu.vector_load %arg5[%get3A_258, %get3A_259] {strides = array<i32>} : memref<5x1024xi32, #tpu.memory_space<vmem>>, vector<1x16xi32>,
      %get3A_261 = vector.shape_cast %get3A_260 : vector<1x16xi32> to vector<16xi32>
      %mul3A_262 = arith.constant 16 : i32
      %mul3A_263 = vector.broadcast %mul3A_262 : i32 to vector<16xi32>
      %mul3A_264 = arith.muli %get3A_261, %mul3A_263 : vector<16xi32>
      %get3A_265 = arith.constant 1 : i32
      %get3A_266 = arith.index_cast %get3A_265 : i32 to index
      %get3A_267 = arith.index_cast %mul3A_256 : i32 to index
      %get3A_268 = tpu.vector_load %arg5[%get3A_266, %get3A_267] {strides = array<i32>} : memref<5x1024xi32, #tpu.memory_space<vmem>>, vector<1x16xi32>,
      %get3A_269 = vector.shape_cast %get3A_268 : vector<1x16xi32> to vector<16xi32>
      %add3A_270 = arith.addi %mul3A_264, %get3A_269 : vector<16xi32>
      %mul3A_271 = arith.constant 16 : i32
      %mul3A_272 = vector.broadcast %mul3A_271 : i32 to vector<16xi32>
      %mul3A_273 = arith.muli %add3A_270, %mul3A_272 : vector<16xi32>
      %get3A_274 = arith.constant 2 : i32
      %get3A_275 = arith.index_cast %get3A_274 : i32 to index
      %get3A_276 = arith.index_cast %mul3A_256 : i32 to index
      %get3A_277 = tpu.vector_load %arg5[%get3A_275, %get3A_276] {strides = array<i32>} : memref<5x1024xi32, #tpu.memory_space<vmem>>, vector<1x16xi32>,
      %get3A_278 = vector.shape_cast %get3A_277 : vector<1x16xi32> to vector<16xi32>
      %add3A_279 = arith.addi %mul3A_273, %get3A_278 : vector<16xi32>
      %mul3A_280 = arith.constant 16 : i32
      %mul3A_281 = vector.broadcast %mul3A_280 : i32 to vector<16xi32>
      %mul3A_282 = arith.muli %add3A_279, %mul3A_281 : vector<16xi32>
      %get3A_283 = arith.constant 3 : i32
      %get3A_284 = arith.index_cast %get3A_283 : i32 to index
      %get3A_285 = arith.index_cast %mul3A_256 : i32 to index
      %get3A_286 = tpu.vector_load %arg5[%get3A_284, %get3A_285] {strides = array<i32>} : memref<5x1024xi32, #tpu.memory_space<vmem>>, vector<1x16xi32>,
      %get3A_287 = vector.shape_cast %get3A_286 : vector<1x16xi32> to vector<16xi32>
      %add3A_288 = arith.addi %mul3A_282, %get3A_287 : vector<16xi32>
      %mul3A_289 = arith.constant 16 : i32
      %mul3A_290 = vector.broadcast %mul3A_289 : i32 to vector<16xi32>
      %mul3A_291 = arith.muli %add3A_288, %mul3A_290 : vector<16xi32>
      %get3A_292 = arith.constant 4 : i32
      %get3A_293 = arith.index_cast %get3A_292 : i32 to index
      %get3A_294 = arith.index_cast %mul3A_256 : i32 to index
      %get3A_295 = tpu.vector_load %arg5[%get3A_293, %get3A_294] {strides = array<i32>} : memref<5x1024xi32, #tpu.memory_space<vmem>>, vector<1x16xi32>,
      %get3A_296 = vector.shape_cast %get3A_295 : vector<1x16xi32> to vector<16xi32>
      %add3A_297 = arith.addi %mul3A_291, %get3A_296 : vector<16xi32>
      %jit3A_298 = arith.constant 8 : i32
      %div3A_299 = arith.divsi %add3A_254, %jit3A_298 : i32
      %sign3A_300 = arith.constant 0 : i32
      %sign3A_301 = arith.cmpi sgt, %add3A_254, %sign3A_300 : i32
      %sign3A_302 = arith.extui %sign3A_301 : i1 to i32
      %sign3A_303 = arith.constant 0 : i32
      %sign3A_304 = arith.cmpi slt, %add3A_254, %sign3A_303 : i32
      %sign3A_305 = arith.extui %sign3A_304 : i1 to i32
      %sign3A_306 = arith.subi %sign3A_302, %sign3A_305 : i32
      %sign3A_307 = arith.constant 0 : i32
      %sign3A_308 = arith.cmpi sgt, %jit3A_298, %sign3A_307 : i32
      %sign3A_309 = arith.extui %sign3A_308 : i1 to i32
      %sign3A_310 = arith.constant 0 : i32
      %sign3A_311 = arith.cmpi slt, %jit3A_298, %sign3A_310 : i32
      %sign3A_312 = arith.extui %sign3A_311 : i1 to i32
      %sign3A_313 = arith.subi %sign3A_309, %sign3A_312 : i32
      %ne3A_314 = arith.cmpi ne, %sign3A_306, %sign3A_313 : i32
      %rem3A_315 = arith.remsi %add3A_254, %jit3A_298 : i32
      %ne3A_316 = arith.constant 0 : i32
      %ne3A_317 = arith.cmpi ne, %rem3A_315, %ne3A_316 : i32
      %and3A_318 = arith.andi %ne3A_314, %ne3A_317 : i1
      %sub3A_319 = arith.constant 1 : i32
      %sub3A_320 = arith.subi %div3A_299, %sub3A_319 : i32
      %select_n3A_321 = arith.select %and3A_318, %sub3A_320, %div3A_299 : i32
      %jit3A_322 = arith.constant 8 : i32
      %eq3A_323 = arith.constant 0 : i32
      %eq3A_324 = arith.cmpi eq, %jit3A_322, %eq3A_323 : i32
      %jit3A_325 = arith.constant 1 : i32
      %select_n3A_326 = arith.select %eq3A_324, %jit3A_325, %jit3A_322 : i32
      %rem3A_327 = arith.remsi %add3A_254, %select_n3A_326 : i32
      %ne3A_328 = arith.constant 0 : i32
      %ne3A_329 = arith.cmpi ne, %rem3A_327, %ne3A_328 : i32
      %lt3A_330 = arith.constant 0 : i32
      %lt3A_331 = arith.cmpi slt, %rem3A_327, %lt3A_330 : i32
      %lt3A_332 = arith.constant 0 : i32
      %lt3A_333 = arith.cmpi slt, %select_n3A_326, %lt3A_332 : i32
      %ne3A_334 = arith.xori %lt3A_331, %lt3A_333 : i1
      %and3A_335 = arith.andi %ne3A_334, %ne3A_329 : i1
      %add3A_336 = arith.addi %rem3A_327, %select_n3A_326 : i32
      %select_n3A_337 = arith.select %and3A_335, %add3A_336, %rem3A_327 : i32
      %mul3A_338 = arith.constant 16 : i32
      %mul3A_339 = arith.muli %select_n3A_337, %mul3A_338 : i32
      %swap3A_340 = arith.index_cast %select_n3A_321 : i32 to index
      %swap3A_341 = arith.index_cast %mul3A_339 : i32 to index
      %swap3A_342 = tpu.vector_load %arg6[%swap3A_340, %swap3A_341] {strides = array<i32>} : memref<8x128xi32, #tpu.memory_space<vmem>>, vector<1x16xi32>,
      %swap3A_343 = vector.shape_cast %swap3A_342 : vector<1x16xi32> to vector<16xi32>
      %swap3A_344 = vector.shape_cast %add3A_297 : vector<16xi32> to vector<1x16xi32>
      tpu.vector_store %arg6[%swap3A_340, %swap3A_341], %swap3A_344 {strides = array<i32>} : memref<8x128xi32, #tpu.memory_space<vmem>>, vector<1x16xi32>,
    }
    %scan3A_7 = arith.constant 32 : i32
    %dma_start3A = arith.constant 0 : i32
    %dma_start3A_8 = arith.constant 0 : i32
    %dma_start3A_9 = arith.constant 0 : i32
    %dma_start3A_10 = tpu.memref_slice %arg7[%dma_start3A_8, %dma_start3A_9] : memref<8x128xf32, #tpu.memory_space<vmem>> -> memref<1x128xf32, #tpu.memory_space<vmem>>
    %dma_start3A_11 = tpu.memref_squeeze %dma_start3A_10 : memref<1x128xf32, #tpu.memory_space<vmem>> -> memref<128xf32, #tpu.memory_space<vmem>>
    %dma_start3A_12 = arith.constant 0 : i32
    %dma_start3A_13 = tpu.memref_slice %arg6[%dma_start3A, %dma_start3A_12] : memref<8x128xi32, #tpu.memory_space<vmem>> -> memref<1x128xi32, #tpu.memory_space<vmem>>
    %dma_start3A_14 = tpu.memref_squeeze %dma_start3A_13 : memref<1x128xi32, #tpu.memory_space<vmem>> -> memref<128xi32, #tpu.memory_space<vmem>>
    %dma_start3A_15 = arith.constant 0 : i32
    %dma_start3A_16 = tpu.memref_slice %arg3[%dma_start3A_15] : memref<1048576xf32, #tpu.memory_space<hbm>> -> memref<1048576xf32, #tpu.memory_space<hbm>>
    tpu.enqueue_indirect_dma source(%dma_start3A_16 : memref<1048576xf32, #tpu.memory_space<hbm>>) target(%dma_start3A_11 : memref<128xf32, #tpu.memory_space<vmem>>) offsets(%dma_start3A_14 : memref<128xi32, #tpu.memory_space<vmem>>) semaphore(%arg8 : memref<!tpu.dma_semaphore, #tpu.memory_space<semaphore_mem>>)
    %dma_start3A_17 = arith.constant 1 : i32
    %dma_start3A_18 = arith.constant 1 : i32
    %dma_start3A_19 = arith.constant 0 : i32
    %dma_start3A_20 = tpu.memref_slice %arg7[%dma_start3A_18, %dma_start3A_19] : memref<8x128xf32, #tpu.memory_space<vmem>> -> memref<1x128xf32, #tpu.memory_space<vmem>>
    %dma_start3A_21 = tpu.memref_squeeze %dma_start3A_20 : memref<1x128xf32, #tpu.memory_space<vmem>> -> memref<128xf32, #tpu.memory_space<vmem>>
    %dma_start3A_22 = arith.constant 0 : i32
    %dma_start3A_23 = tpu.memref_slice %arg6[%dma_start3A_17, %dma_start3A_22] : memref<8x128xi32, #tpu.memory_space<vmem>> -> memref<1x128xi32, #tpu.memory_space<vmem>>
    %dma_start3A_24 = tpu.memref_squeeze %dma_start3A_23 : memref<1x128xi32, #tpu.memory_space<vmem>> -> memref<128xi32, #tpu.memory_space<vmem>>
    %dma_start3A_25 = arith.constant 0 : i32
    %dma_start3A_26 = tpu.memref_slice %arg3[%dma_start3A_25] : memref<1048576xf32, #tpu.memory_space<hbm>> -> memref<1048576xf32, #tpu.memory_space<hbm>>
    tpu.enqueue_indirect_dma source(%dma_start3A_26 : memref<1048576xf32, #tpu.memory_space<hbm>>) target(%dma_start3A_21 : memref<128xf32, #tpu.memory_space<vmem>>) offsets(%dma_start3A_24 : memref<128xi32, #tpu.memory_space<vmem>>) semaphore(%arg8 : memref<!tpu.dma_semaphore, #tpu.memory_space<semaphore_mem>>)
    %dma_start3A_27 = arith.constant 2 : i32
    %dma_start3A_28 = arith.constant 2 : i32
    %dma_start3A_29 = arith.constant 0 : i32
    %dma_start3A_30 = tpu.memref_slice %arg7[%dma_start3A_28, %dma_start3A_29] : memref<8x128xf32, #tpu.memory_space<vmem>> -> memref<1x128xf32, #tpu.memory_space<vmem>>
    %dma_start3A_31 = tpu.memref_squeeze %dma_start3A_30 : memref<1x128xf32, #tpu.memory_space<vmem>> -> memref<128xf32, #tpu.memory_space<vmem>>
    %dma_start3A_32 = arith.constant 0 : i32
    %dma_start3A_33 = tpu.memref_slice %arg6[%dma_start3A_27, %dma_start3A_32] : memref<8x128xi32, #tpu.memory_space<vmem>> -> memref<1x128xi32, #tpu.memory_space<vmem>>
    %dma_start3A_34 = tpu.memref_squeeze %dma_start3A_33 : memref<1x128xi32, #tpu.memory_space<vmem>> -> memref<128xi32, #tpu.memory_space<vmem>>
    %dma_start3A_35 = arith.constant 0 : i32
    %dma_start3A_36 = tpu.memref_slice %arg3[%dma_start3A_35] : memref<1048576xf32, #tpu.memory_space<hbm>> -> memref<1048576xf32, #tpu.memory_space<hbm>>
    tpu.enqueue_indirect_dma source(%dma_start3A_36 : memref<1048576xf32, #tpu.memory_space<hbm>>) target(%dma_start3A_31 : memref<128xf32, #tpu.memory_space<vmem>>) offsets(%dma_start3A_34 : memref<128xi32, #tpu.memory_space<vmem>>) semaphore(%arg8 : memref<!tpu.dma_semaphore, #tpu.memory_space<semaphore_mem>>)
    %dma_start3A_37 = arith.constant 3 : i32
    %dma_start3A_38 = arith.constant 3 : i32
    %dma_start3A_39 = arith.constant 0 : i32
    %dma_start3A_40 = tpu.memref_slice %arg7[%dma_start3A_38, %dma_start3A_39] : memref<8x128xf32, #tpu.memory_space<vmem>> -> memref<1x128xf32, #tpu.memory_space<vmem>>
    %dma_start3A_41 = tpu.memref_squeeze %dma_start3A_40 : memref<1x128xf32, #tpu.memory_space<vmem>> -> memref<128xf32, #tpu.memory_space<vmem>>
    %dma_start3A_42 = arith.constant 0 : i32
    %dma_start3A_43 = tpu.memref_slice %arg6[%dma_start3A_37, %dma_start3A_42] : memref<8x128xi32, #tpu.memory_space<vmem>> -> memref<1x128xi32, #tpu.memory_space<vmem>>
    %dma_start3A_44 = tpu.memref_squeeze %dma_start3A_43 : memref<1x128xi32, #tpu.memory_space<vmem>> -> memref<128xi32, #tpu.memory_space<vmem>>
    %dma_start3A_45 = arith.constant 0 : i32
    %dma_start3A_46 = tpu.memref_slice %arg3[%dma_start3A_45] : memref<1048576xf32, #tpu.memory_space<hbm>> -> memref<1048576xf32, #tpu.memory_space<hbm>>
    tpu.enqueue_indirect_dma source(%dma_start3A_46 : memref<1048576xf32, #tpu.memory_space<hbm>>) target(%dma_start3A_41 : memref<128xf32, #tpu.memory_space<vmem>>) offsets(%dma_start3A_44 : memref<128xi32, #tpu.memory_space<vmem>>) semaphore(%arg8 : memref<!tpu.dma_semaphore, #tpu.memory_space<semaphore_mem>>)
    %dma_start3A_47 = arith.constant 4 : i32
    %dma_start3A_48 = arith.constant 4 : i32
    %dma_start3A_49 = arith.constant 0 : i32
    %dma_start3A_50 = tpu.memref_slice %arg7[%dma_start3A_48, %dma_start3A_49] : memref<8x128xf32, #tpu.memory_space<vmem>> -> memref<1x128xf32, #tpu.memory_space<vmem>>
    %dma_start3A_51 = tpu.memref_squeeze %dma_start3A_50 : memref<1x128xf32, #tpu.memory_space<vmem>> -> memref<128xf32, #tpu.memory_space<vmem>>
    %dma_start3A_52 = arith.constant 0 : i32
    %dma_start3A_53 = tpu.memref_slice %arg6[%dma_start3A_47, %dma_start3A_52] : memref<8x128xi32, #tpu.memory_space<vmem>> -> memref<1x128xi32, #tpu.memory_space<vmem>>
    %dma_start3A_54 = tpu.memref_squeeze %dma_start3A_53 : memref<1x128xi32, #tpu.memory_space<vmem>> -> memref<128xi32, #tpu.memory_space<vmem>>
    %dma_start3A_55 = arith.constant 0 : i32
    %dma_start3A_56 = tpu.memref_slice %arg3[%dma_start3A_55] : memref<1048576xf32, #tpu.memory_space<hbm>> -> memref<1048576xf32, #tpu.memory_space<hbm>>
    tpu.enqueue_indirect_dma source(%dma_start3A_56 : memref<1048576xf32, #tpu.memory_space<hbm>>) target(%dma_start3A_51 : memref<128xf32, #tpu.memory_space<vmem>>) offsets(%dma_start3A_54 : memref<128xi32, #tpu.memory_space<vmem>>) semaphore(%arg8 : memref<!tpu.dma_semaphore, #tpu.memory_space<semaphore_mem>>)
    %dma_start3A_57 = arith.constant 5 : i32
    %dma_start3A_58 = arith.constant 5 : i32
    %dma_start3A_59 = arith.constant 0 : i32
    %dma_start3A_60 = tpu.memref_slice %arg7[%dma_start3A_58, %dma_start3A_59] : memref<8x128xf32, #tpu.memory_space<vmem>> -> memref<1x128xf32, #tpu.memory_space<vmem>>
    %dma_start3A_61 = tpu.memref_squeeze %dma_start3A_60 : memref<1x128xf32, #tpu.memory_space<vmem>> -> memref<128xf32, #tpu.memory_space<vmem>>
    %dma_start3A_62 = arith.constant 0 : i32
    %dma_start3A_63 = tpu.memref_slice %arg6[%dma_start3A_57, %dma_start3A_62] : memref<8x128xi32, #tpu.memory_space<vmem>> -> memref<1x128xi32, #tpu.memory_space<vmem>>
    %dma_start3A_64 = tpu.memref_squeeze %dma_start3A_63 : memref<1x128xi32, #tpu.memory_space<vmem>> -> memref<128xi32, #tpu.memory_space<vmem>>
    %dma_start3A_65 = arith.constant 0 : i32
    %dma_start3A_66 = tpu.memref_slice %arg3[%dma_start3A_65] : memref<1048576xf32, #tpu.memory_space<hbm>> -> memref<1048576xf32, #tpu.memory_space<hbm>>
    tpu.enqueue_indirect_dma source(%dma_start3A_66 : memref<1048576xf32, #tpu.memory_space<hbm>>) target(%dma_start3A_61 : memref<128xf32, #tpu.memory_space<vmem>>) offsets(%dma_start3A_64 : memref<128xi32, #tpu.memory_space<vmem>>) semaphore(%arg8 : memref<!tpu.dma_semaphore, #tpu.memory_space<semaphore_mem>>)
    %dma_start3A_67 = arith.constant 6 : i32
    %dma_start3A_68 = arith.constant 6 : i32
    %dma_start3A_69 = arith.constant 0 : i32
    %dma_start3A_70 = tpu.memref_slice %arg7[%dma_start3A_68, %dma_start3A_69] : memref<8x128xf32, #tpu.memory_space<vmem>> -> memref<1x128xf32, #tpu.memory_space<vmem>>
    %dma_start3A_71 = tpu.memref_squeeze %dma_start3A_70 : memref<1x128xf32, #tpu.memory_space<vmem>> -> memref<128xf32, #tpu.memory_space<vmem>>
    %dma_start3A_72 = arith.constant 0 : i32
    %dma_start3A_73 = tpu.memref_slice %arg6[%dma_start3A_67, %dma_start3A_72] : memref<8x128xi32, #tpu.memory_space<vmem>> -> memref<1x128xi32, #tpu.memory_space<vmem>>
    %dma_start3A_74 = tpu.memref_squeeze %dma_start3A_73 : memref<1x128xi32, #tpu.memory_space<vmem>> -> memref<128xi32, #tpu.memory_space<vmem>>
    %dma_start3A_75 = arith.constant 0 : i32
    %dma_start3A_76 = tpu.memref_slice %arg3[%dma_start3A_75] : memref<1048576xf32, #tpu.memory_space<hbm>> -> memref<1048576xf32, #tpu.memory_space<hbm>>
    tpu.enqueue_indirect_dma source(%dma_start3A_76 : memref<1048576xf32, #tpu.memory_space<hbm>>) target(%dma_start3A_71 : memref<128xf32, #tpu.memory_space<vmem>>) offsets(%dma_start3A_74 : memref<128xi32, #tpu.memory_space<vmem>>) semaphore(%arg8 : memref<!tpu.dma_semaphore, #tpu.memory_space<semaphore_mem>>)
    %dma_start3A_77 = arith.constant 7 : i32
    %dma_start3A_78 = arith.constant 7 : i32
    %dma_start3A_79 = arith.constant 0 : i32
    %dma_start3A_80 = tpu.memref_slice %arg7[%dma_start3A_78, %dma_start3A_79] : memref<8x128xf32, #tpu.memory_space<vmem>> -> memref<1x128xf32, #tpu.memory_space<vmem>>
    %dma_start3A_81 = tpu.memref_squeeze %dma_start3A_80 : memref<1x128xf32, #tpu.memory_space<vmem>> -> memref<128xf32, #tpu.memory_space<vmem>>
    %dma_start3A_82 = arith.constant 0 : i32
    %dma_start3A_83 = tpu.memref_slice %arg6[%dma_start3A_77, %dma_start3A_82] : memref<8x128xi32, #tpu.memory_space<vmem>> -> memref<1x128xi32, #tpu.memory_space<vmem>>
    %dma_start3A_84 = tpu.memref_squeeze %dma_start3A_83 : memref<1x128xi32, #tpu.memory_space<vmem>> -> memref<128xi32, #tpu.memory_space<vmem>>
    %dma_start3A_85 = arith.constant 0 : i32
    %dma_start3A_86 = tpu.memref_slice %arg3[%dma_start3A_85] : memref<1048576xf32, #tpu.memory_space<hbm>> -> memref<1048576xf32, #tpu.memory_space<hbm>>
    tpu.enqueue_indirect_dma source(%dma_start3A_86 : memref<1048576xf32, #tpu.memory_space<hbm>>) target(%dma_start3A_81 : memref<128xf32, #tpu.memory_space<vmem>>) offsets(%dma_start3A_84 : memref<128xi32, #tpu.memory_space<vmem>>) semaphore(%arg8 : memref<!tpu.dma_semaphore, #tpu.memory_space<semaphore_mem>>)
    %dma_wait3A = arith.constant 0 : i32
    %dma_wait3A_87 = arith.constant 0 : i32
    %dma_wait3A_88 = arith.constant 0 : i32
    %dma_wait3A_89 = tpu.memref_slice %arg7[%dma_wait3A_87, %dma_wait3A_88] : memref<8x128xf32, #tpu.memory_space<vmem>> -> memref<1x128xf32, #tpu.memory_space<vmem>>
    %dma_wait3A_90 = tpu.memref_squeeze %dma_wait3A_89 : memref<1x128xf32, #tpu.memory_space<vmem>> -> memref<128xf32, #tpu.memory_space<vmem>>
    %dma_wait3A_91 = arith.constant 0 : i32
    %dma_wait3A_92 = tpu.memref_slice %arg6[%dma_wait3A, %dma_wait3A_91] : memref<8x128xi32, #tpu.memory_space<vmem>> -> memref<1x128xi32, #tpu.memory_space<vmem>>
    %dma_wait3A_93 = tpu.memref_squeeze %dma_wait3A_92 : memref<1x128xi32, #tpu.memory_space<vmem>> -> memref<128xi32, #tpu.memory_space<vmem>>
    %dma_wait3A_94 = arith.constant 0 : i32
    %dma_wait3A_95 = tpu.memref_slice %arg3[%dma_wait3A_94] : memref<1048576xf32, #tpu.memory_space<hbm>> -> memref<1048576xf32, #tpu.memory_space<hbm>>
    tpu.wait_indirect_dma semaphore(%arg8 : memref<!tpu.dma_semaphore, #tpu.memory_space<semaphore_mem>>) src(%dma_wait3A_95 : memref<1048576xf32, #tpu.memory_space<hbm>>) dst(%dma_wait3A_90 : memref<128xf32, #tpu.memory_space<vmem>>)
    %dma_wait3A_96 = arith.constant 1 : i32
    %dma_wait3A_97 = arith.constant 1 : i32
    %dma_wait3A_98 = arith.constant 0 : i32
    %dma_wait3A_99 = tpu.memref_slice %arg7[%dma_wait3A_97, %dma_wait3A_98] : memref<8x128xf32, #tpu.memory_space<vmem>> -> memref<1x128xf32, #tpu.memory_space<vmem>>
    %dma_wait3A_100 = tpu.memref_squeeze %dma_wait3A_99 : memref<1x128xf32, #tpu.memory_space<vmem>> -> memref<128xf32, #tpu.memory_space<vmem>>
    %dma_wait3A_101 = arith.constant 0 : i32
    %dma_wait3A_102 = tpu.memref_slice %arg6[%dma_wait3A_96, %dma_wait3A_101] : memref<8x128xi32, #tpu.memory_space<vmem>> -> memref<1x128xi32, #tpu.memory_space<vmem>>
    %dma_wait3A_103 = tpu.memref_squeeze %dma_wait3A_102 : memref<1x128xi32, #tpu.memory_space<vmem>> -> memref<128xi32, #tpu.memory_space<vmem>>
    %dma_wait3A_104 = arith.constant 0 : i32
    %dma_wait3A_105 = tpu.memref_slice %arg3[%dma_wait3A_104] : memref<1048576xf32, #tpu.memory_space<hbm>> -> memref<1048576xf32, #tpu.memory_space<hbm>>
    tpu.wait_indirect_dma semaphore(%arg8 : memref<!tpu.dma_semaphore, #tpu.memory_space<semaphore_mem>>) src(%dma_wait3A_105 : memref<1048576xf32, #tpu.memory_space<hbm>>) dst(%dma_wait3A_100 : memref<128xf32, #tpu.memory_space<vmem>>)
    %dma_wait3A_106 = arith.constant 2 : i32
    %dma_wait3A_107 = arith.constant 2 : i32
    %dma_wait3A_108 = arith.constant 0 : i32
    %dma_wait3A_109 = tpu.memref_slice %arg7[%dma_wait3A_107, %dma_wait3A_108] : memref<8x128xf32, #tpu.memory_space<vmem>> -> memref<1x128xf32, #tpu.memory_space<vmem>>
    %dma_wait3A_110 = tpu.memref_squeeze %dma_wait3A_109 : memref<1x128xf32, #tpu.memory_space<vmem>> -> memref<128xf32, #tpu.memory_space<vmem>>
    %dma_wait3A_111 = arith.constant 0 : i32
    %dma_wait3A_112 = tpu.memref_slice %arg6[%dma_wait3A_106, %dma_wait3A_111] : memref<8x128xi32, #tpu.memory_space<vmem>> -> memref<1x128xi32, #tpu.memory_space<vmem>>
    %dma_wait3A_113 = tpu.memref_squeeze %dma_wait3A_112 : memref<1x128xi32, #tpu.memory_space<vmem>> -> memref<128xi32, #tpu.memory_space<vmem>>
    %dma_wait3A_114 = arith.constant 0 : i32
    %dma_wait3A_115 = tpu.memref_slice %arg3[%dma_wait3A_114] : memref<1048576xf32, #tpu.memory_space<hbm>> -> memref<1048576xf32, #tpu.memory_space<hbm>>
    tpu.wait_indirect_dma semaphore(%arg8 : memref<!tpu.dma_semaphore, #tpu.memory_space<semaphore_mem>>) src(%dma_wait3A_115 : memref<1048576xf32, #tpu.memory_space<hbm>>) dst(%dma_wait3A_110 : memref<128xf32, #tpu.memory_space<vmem>>)
    %dma_wait3A_116 = arith.constant 3 : i32
    %dma_wait3A_117 = arith.constant 3 : i32
    %dma_wait3A_118 = arith.constant 0 : i32
    %dma_wait3A_119 = tpu.memref_slice %arg7[%dma_wait3A_117, %dma_wait3A_118] : memref<8x128xf32, #tpu.memory_space<vmem>> -> memref<1x128xf32, #tpu.memory_space<vmem>>
    %dma_wait3A_120 = tpu.memref_squeeze %dma_wait3A_119 : memref<1x128xf32, #tpu.memory_space<vmem>> -> memref<128xf32, #tpu.memory_space<vmem>>
    %dma_wait3A_121 = arith.constant 0 : i32
    %dma_wait3A_122 = tpu.memref_slice %arg6[%dma_wait3A_116, %dma_wait3A_121] : memref<8x128xi32, #tpu.memory_space<vmem>> -> memref<1x128xi32, #tpu.memory_space<vmem>>
    %dma_wait3A_123 = tpu.memref_squeeze %dma_wait3A_122 : memref<1x128xi32, #tpu.memory_space<vmem>> -> memref<128xi32, #tpu.memory_space<vmem>>
    %dma_wait3A_124 = arith.constant 0 : i32
    %dma_wait3A_125 = tpu.memref_slice %arg3[%dma_wait3A_124] : memref<1048576xf32, #tpu.memory_space<hbm>> -> memref<1048576xf32, #tpu.memory_space<hbm>>
    tpu.wait_indirect_dma semaphore(%arg8 : memref<!tpu.dma_semaphore, #tpu.memory_space<semaphore_mem>>) src(%dma_wait3A_125 : memref<1048576xf32, #tpu.memory_space<hbm>>) dst(%dma_wait3A_120 : memref<128xf32, #tpu.memory_space<vmem>>)
    %dma_wait3A_126 = arith.constant 4 : i32
    %dma_wait3A_127 = arith.constant 4 : i32
    %dma_wait3A_128 = arith.constant 0 : i32
    %dma_wait3A_129 = tpu.memref_slice %arg7[%dma_wait3A_127, %dma_wait3A_128] : memref<8x128xf32, #tpu.memory_space<vmem>> -> memref<1x128xf32, #tpu.memory_space<vmem>>
    %dma_wait3A_130 = tpu.memref_squeeze %dma_wait3A_129 : memref<1x128xf32, #tpu.memory_space<vmem>> -> memref<128xf32, #tpu.memory_space<vmem>>
    %dma_wait3A_131 = arith.constant 0 : i32
    %dma_wait3A_132 = tpu.memref_slice %arg6[%dma_wait3A_126, %dma_wait3A_131] : memref<8x128xi32, #tpu.memory_space<vmem>> -> memref<1x128xi32, #tpu.memory_space<vmem>>
    %dma_wait3A_133 = tpu.memref_squeeze %dma_wait3A_132 : memref<1x128xi32, #tpu.memory_space<vmem>> -> memref<128xi32, #tpu.memory_space<vmem>>
    %dma_wait3A_134 = arith.constant 0 : i32
    %dma_wait3A_135 = tpu.memref_slice %arg3[%dma_wait3A_134] : memref<1048576xf32, #tpu.memory_space<hbm>> -> memref<1048576xf32, #tpu.memory_space<hbm>>
    tpu.wait_indirect_dma semaphore(%arg8 : memref<!tpu.dma_semaphore, #tpu.memory_space<semaphore_mem>>) src(%dma_wait3A_135 : memref<1048576xf32, #tpu.memory_space<hbm>>) dst(%dma_wait3A_130 : memref<128xf32, #tpu.memory_space<vmem>>)
    %dma_wait3A_136 = arith.constant 5 : i32
    %dma_wait3A_137 = arith.constant 5 : i32
    %dma_wait3A_138 = arith.constant 0 : i32
    %dma_wait3A_139 = tpu.memref_slice %arg7[%dma_wait3A_137, %dma_wait3A_138] : memref<8x128xf32, #tpu.memory_space<vmem>> -> memref<1x128xf32, #tpu.memory_space<vmem>>
    %dma_wait3A_140 = tpu.memref_squeeze %dma_wait3A_139 : memref<1x128xf32, #tpu.memory_space<vmem>> -> memref<128xf32, #tpu.memory_space<vmem>>
    %dma_wait3A_141 = arith.constant 0 : i32
    %dma_wait3A_142 = tpu.memref_slice %arg6[%dma_wait3A_136, %dma_wait3A_141] : memref<8x128xi32, #tpu.memory_space<vmem>> -> memref<1x128xi32, #tpu.memory_space<vmem>>
    %dma_wait3A_143 = tpu.memref_squeeze %dma_wait3A_142 : memref<1x128xi32, #tpu.memory_space<vmem>> -> memref<128xi32, #tpu.memory_space<vmem>>
    %dma_wait3A_144 = arith.constant 0 : i32
    %dma_wait3A_145 = tpu.memref_slice %arg3[%dma_wait3A_144] : memref<1048576xf32, #tpu.memory_space<hbm>> -> memref<1048576xf32, #tpu.memory_space<hbm>>
    tpu.wait_indirect_dma semaphore(%arg8 : memref<!tpu.dma_semaphore, #tpu.memory_space<semaphore_mem>>) src(%dma_wait3A_145 : memref<1048576xf32, #tpu.memory_space<hbm>>) dst(%dma_wait3A_140 : memref<128xf32, #tpu.memory_space<vmem>>)
    %dma_wait3A_146 = arith.constant 6 : i32
    %dma_wait3A_147 = arith.constant 6 : i32
    %dma_wait3A_148 = arith.constant 0 : i32
    %dma_wait3A_149 = tpu.memref_slice %arg7[%dma_wait3A_147, %dma_wait3A_148] : memref<8x128xf32, #tpu.memory_space<vmem>> -> memref<1x128xf32, #tpu.memory_space<vmem>>
    %dma_wait3A_150 = tpu.memref_squeeze %dma_wait3A_149 : memref<1x128xf32, #tpu.memory_space<vmem>> -> memref<128xf32, #tpu.memory_space<vmem>>
    %dma_wait3A_151 = arith.constant 0 : i32
    %dma_wait3A_152 = tpu.memref_slice %arg6[%dma_wait3A_146, %dma_wait3A_151] : memref<8x128xi32, #tpu.memory_space<vmem>> -> memref<1x128xi32, #tpu.memory_space<vmem>>
    %dma_wait3A_153 = tpu.memref_squeeze %dma_wait3A_152 : memref<1x128xi32, #tpu.memory_space<vmem>> -> memref<128xi32, #tpu.memory_space<vmem>>
    %dma_wait3A_154 = arith.constant 0 : i32
    %dma_wait3A_155 = tpu.memref_slice %arg3[%dma_wait3A_154] : memref<1048576xf32, #tpu.memory_space<hbm>> -> memref<1048576xf32, #tpu.memory_space<hbm>>
    tpu.wait_indirect_dma semaphore(%arg8 : memref<!tpu.dma_semaphore, #tpu.memory_space<semaphore_mem>>) src(%dma_wait3A_155 : memref<1048576xf32, #tpu.memory_space<hbm>>) dst(%dma_wait3A_150 : memref<128xf32, #tpu.memory_space<vmem>>)
    %dma_wait3A_156 = arith.constant 7 : i32
    %dma_wait3A_157 = arith.constant 7 : i32
    %dma_wait3A_158 = arith.constant 0 : i32
    %dma_wait3A_159 = tpu.memref_slice %arg7[%dma_wait3A_157, %dma_wait3A_158] : memref<8x128xf32, #tpu.memory_space<vmem>> -> memref<1x128xf32, #tpu.memory_space<vmem>>
    %dma_wait3A_160 = tpu.memref_squeeze %dma_wait3A_159 : memref<1x128xf32, #tpu.memory_space<vmem>> -> memref<128xf32, #tpu.memory_space<vmem>>
    %dma_wait3A_161 = arith.constant 0 : i32
    %dma_wait3A_162 = tpu.memref_slice %arg6[%dma_wait3A_156, %dma_wait3A_161] : memref<8x128xi32, #tpu.memory_space<vmem>> -> memref<1x128xi32, #tpu.memory_space<vmem>>
    %dma_wait3A_163 = tpu.memref_squeeze %dma_wait3A_162 : memref<1x128xi32, #tpu.memory_space<vmem>> -> memref<128xi32, #tpu.memory_space<vmem>>
    %dma_wait3A_164 = arith.constant 0 : i32
    %dma_wait3A_165 = tpu.memref_slice %arg3[%dma_wait3A_164] : memref<1048576xf32, #tpu.memory_space<hbm>> -> memref<1048576xf32, #tpu.memory_space<hbm>>
    tpu.wait_indirect_dma semaphore(%arg8 : memref<!tpu.dma_semaphore, #tpu.memory_space<semaphore_mem>>) src(%dma_wait3A_165 : memref<1048576xf32, #tpu.memory_space<hbm>>) dst(%dma_wait3A_160 : memref<128xf32, #tpu.memory_space<vmem>>)
    %mul3A_166 = arith.constant 8 : i32
    %mul3A_167 = arith.muli %add3A, %mul3A_166 : i32
    "tpu.region"() ({
      %run_scoped3A = tpu.sem_alloc : memref<!tpu.dma_semaphore, #tpu.memory_space<semaphore_mem>>
      %dma_start3A_168 = arith.constant 0 : i32
      %dma_start3A_169 = tpu.memref_slice %arg4[%mul3A_167, %dma_start3A_168] : memref<128x128xf32, #tpu.memory_space<hbm>> -> memref<8x128xf32, #tpu.memory_space<hbm>>
      %dma_start3A_170 = arith.constant 0 : i32
      %dma_start3A_171 = tpu.memref_slice %arg4[%mul3A_167, %dma_start3A_170] : memref<128x128xf32, #tpu.memory_space<hbm>> -> memref<8x128xf32, #tpu.memory_space<hbm>>
      tpu.enqueue_dma source(%arg7 : memref<8x128xf32, #tpu.memory_space<vmem>>) target(%dma_start3A_171 : memref<8x128xf32, #tpu.memory_space<hbm>>) target_semaphore(%run_scoped3A : memref<!tpu.dma_semaphore, #tpu.memory_space<semaphore_mem>>)
      %dma_wait3A_172 = arith.constant 0 : i32
      %dma_wait3A_173 = tpu.memref_slice %arg4[%mul3A_167, %dma_wait3A_172] : memref<128x128xf32, #tpu.memory_space<hbm>> -> memref<8x128xf32, #tpu.memory_space<hbm>>
      %dma_wait3A_174 = arith.constant 0 : i32
      %dma_wait3A_175 = tpu.memref_slice %arg4[%mul3A_167, %dma_wait3A_174] : memref<128x128xf32, #tpu.memory_space<hbm>> -> memref<8x128xf32, #tpu.memory_space<hbm>>
      tpu.wait_dma2 semaphore(%run_scoped3A : memref<!tpu.dma_semaphore, #tpu.memory_space<semaphore_mem>>) src(%arg7 : memref<8x128xf32, #tpu.memory_space<vmem>>) dst(%dma_wait3A_175 : memref<8x128xf32, #tpu.memory_space<hbm>>)
      tpu.yield
    }) : () -> ()
    return
  }
}

module attributes {stable_mosaic.version = 14 : i64} {
  func.func @_lse_body(%arg0: i32, %arg1: memref<512x128xf32, #tpu.memory_space<vmem>>, %arg2: memref<512x128xf32, #tpu.memory_space<vmem>>, %arg3: memref<512x128xf32, #tpu.memory_space<vmem>>, %arg4: memref<512x128xf32, #tpu.memory_space<vmem>>, %arg5: memref<512x128xf32, #tpu.memory_space<vmem>>, %arg6: memref<512x128xf32, #tpu.memory_space<vmem>>, %arg7: memref<512x128xf32, #tpu.memory_space<vmem>>, %arg8: memref<512x128xf32, #tpu.memory_space<vmem>>, %arg9: memref<8x128xf32, #tpu.memory_space<vmem>>, %arg10: memref<8x128xf32, #tpu.memory_space<vmem>>, %arg11: memref<8x128xf32, #tpu.memory_space<vmem>>) attributes {dimension_semantics = [#tpu.dimension_semantics<arbitrary>], iteration_bounds = array<i64: 2>, scalar_prefetch = 0 : i64, scratch_operands = 2 : i64, tpu.core_type = #tpu.core_type<tc>, window_params = [{transform_indices = @transform_0, window_bounds = array<i64: 512, 128>}, {transform_indices = @transform_1, window_bounds = array<i64: 512, 128>}, {transform_indices = @transform_2, window_bounds = array<i64: 512, 128>}, {transform_indices = @transform_3, window_bounds = array<i64: 512, 128>}, {transform_indices = @transform_4, window_bounds = array<i64: 512, 128>}, {transform_indices = @transform_5, window_bounds = array<i64: 512, 128>}, {transform_indices = @transform_6, window_bounds = array<i64: 512, 128>}, {transform_indices = @transform_7, window_bounds = array<i64: 512, 128>}, {pipeline_mode = #tpu.pipeline_mode<synchronous>, transform_indices = @transform_8, window_bounds = array<i64: 8, 128>}]} {
    %get3A = arith.constant 0 : index
    %get3A_0 = arith.constant 0 : index
    %get3A_1 = vector.load %arg1[%get3A, %get3A_0] : memref<512x128xf32, #tpu.memory_space<vmem>>, vector<512x128xf32>
    %reshape3A = vector.shape_cast %get3A_1 : vector<512x128xf32> to vector<8x8x8x128xf32>
    %reduce_max3A = arith.constant dense<0xFF800000> : vector<8x8x128xf32>
    %reduce_max3A_2 = vector.multi_reduction <maximumf>, %reshape3A, %reduce_max3A [1] : vector<8x8x8x128xf32> to vector<8x8x128xf32>
    %reduce_max3A_3 = arith.constant dense<0xFF800000> : vector<8x128xf32>
    %reduce_max3A_4 = vector.multi_reduction <maximumf>, %reduce_max3A_2, %reduce_max3A_3 [0] : vector<8x8x128xf32> to vector<8x128xf32>
    %get3A_5 = arith.constant 0 : index
    %get3A_6 = arith.constant 0 : index
    %get3A_7 = vector.load %arg2[%get3A_5, %get3A_6] : memref<512x128xf32, #tpu.memory_space<vmem>>, vector<512x128xf32>
    %reshape3A_8 = vector.shape_cast %get3A_7 : vector<512x128xf32> to vector<8x8x8x128xf32>
    %reduce_max3A_9 = arith.constant dense<0xFF800000> : vector<8x8x128xf32>
    %reduce_max3A_10 = vector.multi_reduction <maximumf>, %reshape3A_8, %reduce_max3A_9 [1] : vector<8x8x8x128xf32> to vector<8x8x128xf32>
    %reduce_max3A_11 = arith.constant dense<0xFF800000> : vector<8x128xf32>
    %reduce_max3A_12 = vector.multi_reduction <maximumf>, %reduce_max3A_10, %reduce_max3A_11 [0] : vector<8x8x128xf32> to vector<8x128xf32>
    %max3A = arith.maximumf %reduce_max3A_4, %reduce_max3A_12 : vector<8x128xf32>
    %get3A_13 = arith.constant 0 : index
    %get3A_14 = arith.constant 0 : index
    %get3A_15 = vector.load %arg3[%get3A_13, %get3A_14] : memref<512x128xf32, #tpu.memory_space<vmem>>, vector<512x128xf32>
    %reshape3A_16 = vector.shape_cast %get3A_15 : vector<512x128xf32> to vector<8x8x8x128xf32>
    %reduce_max3A_17 = arith.constant dense<0xFF800000> : vector<8x8x128xf32>
    %reduce_max3A_18 = vector.multi_reduction <maximumf>, %reshape3A_16, %reduce_max3A_17 [1] : vector<8x8x8x128xf32> to vector<8x8x128xf32>
    %reduce_max3A_19 = arith.constant dense<0xFF800000> : vector<8x128xf32>
    %reduce_max3A_20 = vector.multi_reduction <maximumf>, %reduce_max3A_18, %reduce_max3A_19 [0] : vector<8x8x128xf32> to vector<8x128xf32>
    %max3A_21 = arith.maximumf %max3A, %reduce_max3A_20 : vector<8x128xf32>
    %get3A_22 = arith.constant 0 : index
    %get3A_23 = arith.constant 0 : index
    %get3A_24 = vector.load %arg4[%get3A_22, %get3A_23] : memref<512x128xf32, #tpu.memory_space<vmem>>, vector<512x128xf32>
    %reshape3A_25 = vector.shape_cast %get3A_24 : vector<512x128xf32> to vector<8x8x8x128xf32>
    %reduce_max3A_26 = arith.constant dense<0xFF800000> : vector<8x8x128xf32>
    %reduce_max3A_27 = vector.multi_reduction <maximumf>, %reshape3A_25, %reduce_max3A_26 [1] : vector<8x8x8x128xf32> to vector<8x8x128xf32>
    %reduce_max3A_28 = arith.constant dense<0xFF800000> : vector<8x128xf32>
    %reduce_max3A_29 = vector.multi_reduction <maximumf>, %reduce_max3A_27, %reduce_max3A_28 [0] : vector<8x8x128xf32> to vector<8x128xf32>
    %max3A_30 = arith.maximumf %max3A_21, %reduce_max3A_29 : vector<8x128xf32>
    %get3A_31 = arith.constant 0 : index
    %get3A_32 = arith.constant 0 : index
    %get3A_33 = vector.load %arg5[%get3A_31, %get3A_32] : memref<512x128xf32, #tpu.memory_space<vmem>>, vector<512x128xf32>
    %reshape3A_34 = vector.shape_cast %get3A_33 : vector<512x128xf32> to vector<8x8x8x128xf32>
    %reduce_max3A_35 = arith.constant dense<0xFF800000> : vector<8x8x128xf32>
    %reduce_max3A_36 = vector.multi_reduction <maximumf>, %reshape3A_34, %reduce_max3A_35 [1] : vector<8x8x8x128xf32> to vector<8x8x128xf32>
    %reduce_max3A_37 = arith.constant dense<0xFF800000> : vector<8x128xf32>
    %reduce_max3A_38 = vector.multi_reduction <maximumf>, %reduce_max3A_36, %reduce_max3A_37 [0] : vector<8x8x128xf32> to vector<8x128xf32>
    %max3A_39 = arith.maximumf %max3A_30, %reduce_max3A_38 : vector<8x128xf32>
    %get3A_40 = arith.constant 0 : index
    %get3A_41 = arith.constant 0 : index
    %get3A_42 = vector.load %arg6[%get3A_40, %get3A_41] : memref<512x128xf32, #tpu.memory_space<vmem>>, vector<512x128xf32>
    %reshape3A_43 = vector.shape_cast %get3A_42 : vector<512x128xf32> to vector<8x8x8x128xf32>
    %reduce_max3A_44 = arith.constant dense<0xFF800000> : vector<8x8x128xf32>
    %reduce_max3A_45 = vector.multi_reduction <maximumf>, %reshape3A_43, %reduce_max3A_44 [1] : vector<8x8x8x128xf32> to vector<8x8x128xf32>
    %reduce_max3A_46 = arith.constant dense<0xFF800000> : vector<8x128xf32>
    %reduce_max3A_47 = vector.multi_reduction <maximumf>, %reduce_max3A_45, %reduce_max3A_46 [0] : vector<8x8x128xf32> to vector<8x128xf32>
    %max3A_48 = arith.maximumf %max3A_39, %reduce_max3A_47 : vector<8x128xf32>
    %get3A_49 = arith.constant 0 : index
    %get3A_50 = arith.constant 0 : index
    %get3A_51 = vector.load %arg7[%get3A_49, %get3A_50] : memref<512x128xf32, #tpu.memory_space<vmem>>, vector<512x128xf32>
    %reshape3A_52 = vector.shape_cast %get3A_51 : vector<512x128xf32> to vector<8x8x8x128xf32>
    %reduce_max3A_53 = arith.constant dense<0xFF800000> : vector<8x8x128xf32>
    %reduce_max3A_54 = vector.multi_reduction <maximumf>, %reshape3A_52, %reduce_max3A_53 [1] : vector<8x8x8x128xf32> to vector<8x8x128xf32>
    %reduce_max3A_55 = arith.constant dense<0xFF800000> : vector<8x128xf32>
    %reduce_max3A_56 = vector.multi_reduction <maximumf>, %reduce_max3A_54, %reduce_max3A_55 [0] : vector<8x8x128xf32> to vector<8x128xf32>
    %max3A_57 = arith.maximumf %max3A_48, %reduce_max3A_56 : vector<8x128xf32>
    %get3A_58 = arith.constant 0 : index
    %get3A_59 = arith.constant 0 : index
    %get3A_60 = vector.load %arg8[%get3A_58, %get3A_59] : memref<512x128xf32, #tpu.memory_space<vmem>>, vector<512x128xf32>
    %reshape3A_61 = vector.shape_cast %get3A_60 : vector<512x128xf32> to vector<8x8x8x128xf32>
    %reduce_max3A_62 = arith.constant dense<0xFF800000> : vector<8x8x128xf32>
    %reduce_max3A_63 = vector.multi_reduction <maximumf>, %reshape3A_61, %reduce_max3A_62 [1] : vector<8x8x8x128xf32> to vector<8x8x128xf32>
    %reduce_max3A_64 = arith.constant dense<0xFF800000> : vector<8x128xf32>
    %reduce_max3A_65 = vector.multi_reduction <maximumf>, %reduce_max3A_63, %reduce_max3A_64 [0] : vector<8x8x128xf32> to vector<8x128xf32>
    %max3A_66 = arith.maximumf %max3A_57, %reduce_max3A_65 : vector<8x128xf32>
    %eq3A = arith.constant 0 : i32
    %eq3A_67 = arith.cmpi eq, %arg0, %eq3A : i32
    %convert_element_type3A = arith.extui %eq3A_67 : i1 to i32
    %cond3A = arith.constant 0 : i32
    %cond3A_68 = arith.cmpi ne, %convert_element_type3A, %cond3A : i32
    scf.if %cond3A_68 {
      %broadcast_in_dim3A_187 = arith.constant 0xFF800000 : f32
      %broadcast_in_dim3A_188 = vector.broadcast %broadcast_in_dim3A_187 : f32 to vector<8x128xf32>
      %swap3A_189 = arith.constant 0 : index
      %swap3A_190 = arith.constant 0 : index
      %swap3A_191 = vector.load %arg10[%swap3A_189, %swap3A_190] : memref<8x128xf32, #tpu.memory_space<vmem>>, vector<8x128xf32>
      tpu.vector_store %arg10[%swap3A_189, %swap3A_190], %broadcast_in_dim3A_188 {strides = array<i32>} : memref<8x128xf32, #tpu.memory_space<vmem>>, vector<8x128xf32>,
      %broadcast_in_dim3A_192 = arith.constant 0.000000e+00 : f32
      %broadcast_in_dim3A_193 = vector.broadcast %broadcast_in_dim3A_192 : f32 to vector<8x128xf32>
      %swap3A_194 = arith.constant 0 : index
      %swap3A_195 = arith.constant 0 : index
      %swap3A_196 = vector.load %arg11[%swap3A_194, %swap3A_195] : memref<8x128xf32, #tpu.memory_space<vmem>>, vector<8x128xf32>
      tpu.vector_store %arg11[%swap3A_194, %swap3A_195], %broadcast_in_dim3A_193 {strides = array<i32>} : memref<8x128xf32, #tpu.memory_space<vmem>>, vector<8x128xf32>,
    } else {
    }
    %get3A_69 = arith.constant 0 : index
    %get3A_70 = arith.constant 0 : index
    %get3A_71 = vector.load %arg10[%get3A_69, %get3A_70] : memref<8x128xf32, #tpu.memory_space<vmem>>, vector<8x128xf32>
    %max3A_72 = arith.maximumf %get3A_71, %max3A_66 : vector<8x128xf32>
    %get3A_73 = arith.constant 0 : index
    %get3A_74 = arith.constant 0 : index
    %get3A_75 = vector.load %arg11[%get3A_73, %get3A_74] : memref<8x128xf32, #tpu.memory_space<vmem>>, vector<8x128xf32>
    %sub3A = arith.subf %get3A_71, %max3A_72 : vector<8x128xf32>
    %exp3A = math.exp %sub3A : vector<8x128xf32>
    %mul3A = arith.mulf %get3A_75, %exp3A : vector<8x128xf32>
    %get3A_76 = arith.constant 0 : index
    %get3A_77 = arith.constant 0 : index
    %get3A_78 = vector.load %arg1[%get3A_76, %get3A_77] : memref<512x128xf32, #tpu.memory_space<vmem>>, vector<512x128xf32>
    %reshape3A_79 = vector.shape_cast %get3A_78 : vector<512x128xf32> to vector<8x8x8x128xf32>
    %broadcast_in_dim3A = vector.shape_cast %max3A_72 : vector<8x128xf32> to vector<1x1x8x128xf32>
    %sub3A_80 = vector.broadcast %broadcast_in_dim3A : vector<1x1x8x128xf32> to vector<8x8x8x128xf32>
    %sub3A_81 = arith.subf %reshape3A_79, %sub3A_80 : vector<8x8x8x128xf32>
    %exp3A_82 = math.exp %sub3A_81 : vector<8x8x8x128xf32>
    %reduce_sum3A = arith.constant dense<0.000000e+00> : vector<8x8x128xf32>
    %reduce_sum3A_83 = vector.multi_reduction <add>, %exp3A_82, %reduce_sum3A [1] : vector<8x8x8x128xf32> to vector<8x8x128xf32>
    %reduce_sum3A_84 = arith.constant dense<0.000000e+00> : vector<8x128xf32>
    %reduce_sum3A_85 = vector.multi_reduction <add>, %reduce_sum3A_83, %reduce_sum3A_84 [0] : vector<8x8x128xf32> to vector<8x128xf32>
    %add3A = arith.addf %mul3A, %reduce_sum3A_85 : vector<8x128xf32>
    %get3A_86 = arith.constant 0 : index
    %get3A_87 = arith.constant 0 : index
    %get3A_88 = vector.load %arg2[%get3A_86, %get3A_87] : memref<512x128xf32, #tpu.memory_space<vmem>>, vector<512x128xf32>
    %reshape3A_89 = vector.shape_cast %get3A_88 : vector<512x128xf32> to vector<8x8x8x128xf32>
    %broadcast_in_dim3A_90 = vector.shape_cast %max3A_72 : vector<8x128xf32> to vector<1x1x8x128xf32>
    %sub3A_91 = vector.broadcast %broadcast_in_dim3A_90 : vector<1x1x8x128xf32> to vector<8x8x8x128xf32>
    %sub3A_92 = arith.subf %reshape3A_89, %sub3A_91 : vector<8x8x8x128xf32>
    %exp3A_93 = math.exp %sub3A_92 : vector<8x8x8x128xf32>
    %reduce_sum3A_94 = arith.constant dense<0.000000e+00> : vector<8x8x128xf32>
    %reduce_sum3A_95 = vector.multi_reduction <add>, %exp3A_93, %reduce_sum3A_94 [1] : vector<8x8x8x128xf32> to vector<8x8x128xf32>
    %reduce_sum3A_96 = arith.constant dense<0.000000e+00> : vector<8x128xf32>
    %reduce_sum3A_97 = vector.multi_reduction <add>, %reduce_sum3A_95, %reduce_sum3A_96 [0] : vector<8x8x128xf32> to vector<8x128xf32>
    %add3A_98 = arith.addf %add3A, %reduce_sum3A_97 : vector<8x128xf32>
    %get3A_99 = arith.constant 0 : index
    %get3A_100 = arith.constant 0 : index
    %get3A_101 = vector.load %arg3[%get3A_99, %get3A_100] : memref<512x128xf32, #tpu.memory_space<vmem>>, vector<512x128xf32>
    %reshape3A_102 = vector.shape_cast %get3A_101 : vector<512x128xf32> to vector<8x8x8x128xf32>
    %broadcast_in_dim3A_103 = vector.shape_cast %max3A_72 : vector<8x128xf32> to vector<1x1x8x128xf32>
    %sub3A_104 = vector.broadcast %broadcast_in_dim3A_103 : vector<1x1x8x128xf32> to vector<8x8x8x128xf32>
    %sub3A_105 = arith.subf %reshape3A_102, %sub3A_104 : vector<8x8x8x128xf32>
    %exp3A_106 = math.exp %sub3A_105 : vector<8x8x8x128xf32>
    %reduce_sum3A_107 = arith.constant dense<0.000000e+00> : vector<8x8x128xf32>
    %reduce_sum3A_108 = vector.multi_reduction <add>, %exp3A_106, %reduce_sum3A_107 [1] : vector<8x8x8x128xf32> to vector<8x8x128xf32>
    %reduce_sum3A_109 = arith.constant dense<0.000000e+00> : vector<8x128xf32>
    %reduce_sum3A_110 = vector.multi_reduction <add>, %reduce_sum3A_108, %reduce_sum3A_109 [0] : vector<8x8x128xf32> to vector<8x128xf32>
    %add3A_111 = arith.addf %add3A_98, %reduce_sum3A_110 : vector<8x128xf32>
    %get3A_112 = arith.constant 0 : index
    %get3A_113 = arith.constant 0 : index
    %get3A_114 = vector.load %arg4[%get3A_112, %get3A_113] : memref<512x128xf32, #tpu.memory_space<vmem>>, vector<512x128xf32>
    %reshape3A_115 = vector.shape_cast %get3A_114 : vector<512x128xf32> to vector<8x8x8x128xf32>
    %broadcast_in_dim3A_116 = vector.shape_cast %max3A_72 : vector<8x128xf32> to vector<1x1x8x128xf32>
    %sub3A_117 = vector.broadcast %broadcast_in_dim3A_116 : vector<1x1x8x128xf32> to vector<8x8x8x128xf32>
    %sub3A_118 = arith.subf %reshape3A_115, %sub3A_117 : vector<8x8x8x128xf32>
    %exp3A_119 = math.exp %sub3A_118 : vector<8x8x8x128xf32>
    %reduce_sum3A_120 = arith.constant dense<0.000000e+00> : vector<8x8x128xf32>
    %reduce_sum3A_121 = vector.multi_reduction <add>, %exp3A_119, %reduce_sum3A_120 [1] : vector<8x8x8x128xf32> to vector<8x8x128xf32>
    %reduce_sum3A_122 = arith.constant dense<0.000000e+00> : vector<8x128xf32>
    %reduce_sum3A_123 = vector.multi_reduction <add>, %reduce_sum3A_121, %reduce_sum3A_122 [0] : vector<8x8x128xf32> to vector<8x128xf32>
    %add3A_124 = arith.addf %add3A_111, %reduce_sum3A_123 : vector<8x128xf32>
    %get3A_125 = arith.constant 0 : index
    %get3A_126 = arith.constant 0 : index
    %get3A_127 = vector.load %arg5[%get3A_125, %get3A_126] : memref<512x128xf32, #tpu.memory_space<vmem>>, vector<512x128xf32>
    %reshape3A_128 = vector.shape_cast %get3A_127 : vector<512x128xf32> to vector<8x8x8x128xf32>
    %broadcast_in_dim3A_129 = vector.shape_cast %max3A_72 : vector<8x128xf32> to vector<1x1x8x128xf32>
    %sub3A_130 = vector.broadcast %broadcast_in_dim3A_129 : vector<1x1x8x128xf32> to vector<8x8x8x128xf32>
    %sub3A_131 = arith.subf %reshape3A_128, %sub3A_130 : vector<8x8x8x128xf32>
    %exp3A_132 = math.exp %sub3A_131 : vector<8x8x8x128xf32>
    %reduce_sum3A_133 = arith.constant dense<0.000000e+00> : vector<8x8x128xf32>
    %reduce_sum3A_134 = vector.multi_reduction <add>, %exp3A_132, %reduce_sum3A_133 [1] : vector<8x8x8x128xf32> to vector<8x8x128xf32>
    %reduce_sum3A_135 = arith.constant dense<0.000000e+00> : vector<8x128xf32>
    %reduce_sum3A_136 = vector.multi_reduction <add>, %reduce_sum3A_134, %reduce_sum3A_135 [0] : vector<8x8x128xf32> to vector<8x128xf32>
    %add3A_137 = arith.addf %add3A_124, %reduce_sum3A_136 : vector<8x128xf32>
    %get3A_138 = arith.constant 0 : index
    %get3A_139 = arith.constant 0 : index
    %get3A_140 = vector.load %arg6[%get3A_138, %get3A_139] : memref<512x128xf32, #tpu.memory_space<vmem>>, vector<512x128xf32>
    %reshape3A_141 = vector.shape_cast %get3A_140 : vector<512x128xf32> to vector<8x8x8x128xf32>
    %broadcast_in_dim3A_142 = vector.shape_cast %max3A_72 : vector<8x128xf32> to vector<1x1x8x128xf32>
    %sub3A_143 = vector.broadcast %broadcast_in_dim3A_142 : vector<1x1x8x128xf32> to vector<8x8x8x128xf32>
    %sub3A_144 = arith.subf %reshape3A_141, %sub3A_143 : vector<8x8x8x128xf32>
    %exp3A_145 = math.exp %sub3A_144 : vector<8x8x8x128xf32>
    %reduce_sum3A_146 = arith.constant dense<0.000000e+00> : vector<8x8x128xf32>
    %reduce_sum3A_147 = vector.multi_reduction <add>, %exp3A_145, %reduce_sum3A_146 [1] : vector<8x8x8x128xf32> to vector<8x8x128xf32>
    %reduce_sum3A_148 = arith.constant dense<0.000000e+00> : vector<8x128xf32>
    %reduce_sum3A_149 = vector.multi_reduction <add>, %reduce_sum3A_147, %reduce_sum3A_148 [0] : vector<8x8x128xf32> to vector<8x128xf32>
    %add3A_150 = arith.addf %add3A_137, %reduce_sum3A_149 : vector<8x128xf32>
    %get3A_151 = arith.constant 0 : index
    %get3A_152 = arith.constant 0 : index
    %get3A_153 = vector.load %arg7[%get3A_151, %get3A_152] : memref<512x128xf32, #tpu.memory_space<vmem>>, vector<512x128xf32>
    %reshape3A_154 = vector.shape_cast %get3A_153 : vector<512x128xf32> to vector<8x8x8x128xf32>
    %broadcast_in_dim3A_155 = vector.shape_cast %max3A_72 : vector<8x128xf32> to vector<1x1x8x128xf32>
    %sub3A_156 = vector.broadcast %broadcast_in_dim3A_155 : vector<1x1x8x128xf32> to vector<8x8x8x128xf32>
    %sub3A_157 = arith.subf %reshape3A_154, %sub3A_156 : vector<8x8x8x128xf32>
    %exp3A_158 = math.exp %sub3A_157 : vector<8x8x8x128xf32>
    %reduce_sum3A_159 = arith.constant dense<0.000000e+00> : vector<8x8x128xf32>
    %reduce_sum3A_160 = vector.multi_reduction <add>, %exp3A_158, %reduce_sum3A_159 [1] : vector<8x8x8x128xf32> to vector<8x8x128xf32>
    %reduce_sum3A_161 = arith.constant dense<0.000000e+00> : vector<8x128xf32>
    %reduce_sum3A_162 = vector.multi_reduction <add>, %reduce_sum3A_160, %reduce_sum3A_161 [0] : vector<8x8x128xf32> to vector<8x128xf32>
    %add3A_163 = arith.addf %add3A_150, %reduce_sum3A_162 : vector<8x128xf32>
    %get3A_164 = arith.constant 0 : index
    %get3A_165 = arith.constant 0 : index
    %get3A_166 = vector.load %arg8[%get3A_164, %get3A_165] : memref<512x128xf32, #tpu.memory_space<vmem>>, vector<512x128xf32>
    %reshape3A_167 = vector.shape_cast %get3A_166 : vector<512x128xf32> to vector<8x8x8x128xf32>
    %broadcast_in_dim3A_168 = vector.shape_cast %max3A_72 : vector<8x128xf32> to vector<1x1x8x128xf32>
    %sub3A_169 = vector.broadcast %broadcast_in_dim3A_168 : vector<1x1x8x128xf32> to vector<8x8x8x128xf32>
    %sub3A_170 = arith.subf %reshape3A_167, %sub3A_169 : vector<8x8x8x128xf32>
    %exp3A_171 = math.exp %sub3A_170 : vector<8x8x8x128xf32>
    %reduce_sum3A_172 = arith.constant dense<0.000000e+00> : vector<8x8x128xf32>
    %reduce_sum3A_173 = vector.multi_reduction <add>, %exp3A_171, %reduce_sum3A_172 [1] : vector<8x8x8x128xf32> to vector<8x8x128xf32>
    %reduce_sum3A_174 = arith.constant dense<0.000000e+00> : vector<8x128xf32>
    %reduce_sum3A_175 = vector.multi_reduction <add>, %reduce_sum3A_173, %reduce_sum3A_174 [0] : vector<8x8x128xf32> to vector<8x128xf32>
    %add3A_176 = arith.addf %add3A_163, %reduce_sum3A_175 : vector<8x128xf32>
    %swap3A = arith.constant 0 : index
    %swap3A_177 = arith.constant 0 : index
    %swap3A_178 = vector.load %arg11[%swap3A, %swap3A_177] : memref<8x128xf32, #tpu.memory_space<vmem>>, vector<8x128xf32>
    tpu.vector_store %arg11[%swap3A, %swap3A_177], %add3A_176 {strides = array<i32>} : memref<8x128xf32, #tpu.memory_space<vmem>>, vector<8x128xf32>,
    %swap3A_179 = arith.constant 0 : index
    %swap3A_180 = arith.constant 0 : index
    %swap3A_181 = vector.load %arg10[%swap3A_179, %swap3A_180] : memref<8x128xf32, #tpu.memory_space<vmem>>, vector<8x128xf32>
    tpu.vector_store %arg10[%swap3A_179, %swap3A_180], %max3A_72 {strides = array<i32>} : memref<8x128xf32, #tpu.memory_space<vmem>>, vector<8x128xf32>,
    %eq3A_182 = arith.constant 1 : i32
    %eq3A_183 = arith.cmpi eq, %arg0, %eq3A_182 : i32
    %convert_element_type3A_184 = arith.extui %eq3A_183 : i1 to i32
    %cond3A_185 = arith.constant 0 : i32
    %cond3A_186 = arith.cmpi ne, %convert_element_type3A_184, %cond3A_185 : i32
    scf.if %cond3A_186 {
      %reduce_max3A_187 = vector.shape_cast %max3A_72 : vector<8x128xf32> to vector<1x8x128xf32>
      %reduce_max3A_188 = arith.constant dense<0xFF800000> : vector<1xf32>
      %reduce_max3A_189 = vector.multi_reduction <maximumf>, %reduce_max3A_187, %reduce_max3A_188 [1, 2] : vector<1x8x128xf32> to vector<1xf32>
      %reduce_max3A_190 = vector.shape_cast %reduce_max3A_189 : vector<1xf32> to vector<1x1x1xf32>
      %reduce_max3A_191 = vector.extract %reduce_max3A_190[0, 0, 0] : f32 from vector<1x1x1xf32>
      %get3A_192 = arith.constant 0 : index
      %get3A_193 = arith.constant 0 : index
      %get3A_194 = vector.load %arg11[%get3A_192, %get3A_193] : memref<8x128xf32, #tpu.memory_space<vmem>>, vector<8x128xf32>
      %get3A_195 = arith.constant 0 : index
      %get3A_196 = arith.constant 0 : index
      %get3A_197 = vector.load %arg10[%get3A_195, %get3A_196] : memref<8x128xf32, #tpu.memory_space<vmem>>, vector<8x128xf32>
      %sub3A_198 = vector.broadcast %reduce_max3A_191 : f32 to vector<8x128xf32>
      %sub3A_199 = arith.subf %get3A_197, %sub3A_198 : vector<8x128xf32>
      %exp3A_200 = math.exp %sub3A_199 : vector<8x128xf32>
      %mul3A_201 = arith.mulf %get3A_194, %exp3A_200 : vector<8x128xf32>
      %reduce_sum3A_202 = vector.shape_cast %mul3A_201 : vector<8x128xf32> to vector<1x8x128xf32>
      %reduce_sum3A_203 = arith.constant dense<0.000000e+00> : vector<1xf32>
      %reduce_sum3A_204 = vector.multi_reduction <add>, %reduce_sum3A_202, %reduce_sum3A_203 [1, 2] : vector<1x8x128xf32> to vector<1xf32>
      %reduce_sum3A_205 = vector.shape_cast %reduce_sum3A_204 : vector<1xf32> to vector<1x1x1xf32>
      %reduce_sum3A_206 = vector.extract %reduce_sum3A_205[0, 0, 0] : f32 from vector<1x1x1xf32>
      %log3A = math.log %reduce_sum3A_206 : f32
      %add3A_207 = arith.addf %reduce_max3A_191, %log3A : f32
      %broadcast_in_dim3A_208 = vector.broadcast %add3A_207 : f32 to vector<8x128xf32>
      %swap3A_209 = arith.constant 0 : index
      %swap3A_210 = arith.constant 0 : index
      %swap3A_211 = vector.load %arg9[%swap3A_209, %swap3A_210] : memref<8x128xf32, #tpu.memory_space<vmem>>, vector<8x128xf32>
      tpu.vector_store %arg9[%swap3A_209, %swap3A_210], %broadcast_in_dim3A_208 {strides = array<i32>} : memref<8x128xf32, #tpu.memory_space<vmem>>, vector<8x128xf32>,
    } else {
    }
    return
  }
  func.func @transform_0(%arg0: i32) -> (i32, i32) {
    %mul3A = arith.constant 8 : i32
    %mul3A_0 = arith.muli %mul3A, %arg0 : i32
    %add3A = arith.constant 0 : i32
    %add3A_1 = arith.addi %mul3A_0, %add3A : i32
    %c0_i32 = arith.constant 0 : i32
    %c0_i32_2 = arith.constant 0 : i32
    return %add3A_1, %c0_i32 : i32, i32
  }
  func.func @transform_1(%arg0: i32) -> (i32, i32) {
    %mul3A = arith.constant 8 : i32
    %mul3A_0 = arith.muli %mul3A, %arg0 : i32
    %add3A = arith.constant 1 : i32
    %add3A_1 = arith.addi %mul3A_0, %add3A : i32
    %c0_i32 = arith.constant 0 : i32
    %c0_i32_2 = arith.constant 0 : i32
    return %add3A_1, %c0_i32 : i32, i32
  }
  func.func @transform_2(%arg0: i32) -> (i32, i32) {
    %mul3A = arith.constant 8 : i32
    %mul3A_0 = arith.muli %mul3A, %arg0 : i32
    %add3A = arith.constant 2 : i32
    %add3A_1 = arith.addi %mul3A_0, %add3A : i32
    %c0_i32 = arith.constant 0 : i32
    %c0_i32_2 = arith.constant 0 : i32
    return %add3A_1, %c0_i32 : i32, i32
  }
  func.func @transform_3(%arg0: i32) -> (i32, i32) {
    %mul3A = arith.constant 8 : i32
    %mul3A_0 = arith.muli %mul3A, %arg0 : i32
    %add3A = arith.constant 3 : i32
    %add3A_1 = arith.addi %mul3A_0, %add3A : i32
    %c0_i32 = arith.constant 0 : i32
    %c0_i32_2 = arith.constant 0 : i32
    return %add3A_1, %c0_i32 : i32, i32
  }
  func.func @transform_4(%arg0: i32) -> (i32, i32) {
    %mul3A = arith.constant 8 : i32
    %mul3A_0 = arith.muli %mul3A, %arg0 : i32
    %add3A = arith.constant 4 : i32
    %add3A_1 = arith.addi %mul3A_0, %add3A : i32
    %c0_i32 = arith.constant 0 : i32
    %c0_i32_2 = arith.constant 0 : i32
    return %add3A_1, %c0_i32 : i32, i32
  }
  func.func @transform_5(%arg0: i32) -> (i32, i32) {
    %mul3A = arith.constant 8 : i32
    %mul3A_0 = arith.muli %mul3A, %arg0 : i32
    %add3A = arith.constant 5 : i32
    %add3A_1 = arith.addi %mul3A_0, %add3A : i32
    %c0_i32 = arith.constant 0 : i32
    %c0_i32_2 = arith.constant 0 : i32
    return %add3A_1, %c0_i32 : i32, i32
  }
  func.func @transform_6(%arg0: i32) -> (i32, i32) {
    %mul3A = arith.constant 8 : i32
    %mul3A_0 = arith.muli %mul3A, %arg0 : i32
    %add3A = arith.constant 6 : i32
    %add3A_1 = arith.addi %mul3A_0, %add3A : i32
    %c0_i32 = arith.constant 0 : i32
    %c0_i32_2 = arith.constant 0 : i32
    return %add3A_1, %c0_i32 : i32, i32
  }
  func.func @transform_7(%arg0: i32) -> (i32, i32) {
    %mul3A = arith.constant 8 : i32
    %mul3A_0 = arith.muli %mul3A, %arg0 : i32
    %add3A = arith.constant 7 : i32
    %add3A_1 = arith.addi %mul3A_0, %add3A : i32
    %c0_i32 = arith.constant 0 : i32
    %c0_i32_2 = arith.constant 0 : i32
    return %add3A_1, %c0_i32 : i32, i32
  }
  func.func @transform_8(%arg0: i32) -> (i32, i32) {
    %c0_i32 = arith.constant 0 : i32
    %c0_i32_0 = arith.constant 0 : i32
    %c0_i32_1 = arith.constant 0 : i32
    return %c0_i32, %c0_i32_0 : i32, i32
  }
}

module attributes {stable_mosaic.version = 14 : i64} {
  func.func @_combine_body(%arg0: memref<128x128xf32, #tpu.memory_space<vmem>>, %arg1: memref<8x128xf32, #tpu.memory_space<vmem>>, %arg2: memref<128x128xf32, #tpu.memory_space<vmem>>) attributes {dimension_semantics = [], scalar_prefetch = 0 : i64, scratch_operands = 0 : i64, tpu.core_type = #tpu.core_type<tc>} {
    %get3A = arith.constant 0 : index
    %get3A_0 = arith.constant 0 : index
    %get3A_1 = vector.load %arg0[%get3A, %get3A_0] : memref<128x128xf32, #tpu.memory_space<vmem>>, vector<128x128xf32>
    %get3A_2 = arith.constant 0 : index
    %get3A_3 = arith.constant 0 : index
    %get3A_4 = vector.load %arg1[%get3A_2, %get3A_3] : memref<8x128xf32, #tpu.memory_space<vmem>>, vector<1x1xf32>
    %get3A_5 = vector.extract %get3A_4[0, 0] : f32 from vector<1x1xf32>
    %sub3A = vector.broadcast %get3A_5 : f32 to vector<128x128xf32>
    %sub3A_6 = arith.subf %get3A_1, %sub3A : vector<128x128xf32>
    %swap3A = arith.constant 0 : index
    %swap3A_7 = arith.constant 0 : index
    %swap3A_8 = vector.load %arg2[%swap3A, %swap3A_7] : memref<128x128xf32, #tpu.memory_space<vmem>>, vector<128x128xf32>
    tpu.vector_store %arg2[%swap3A, %swap3A_7], %sub3A_6 {strides = array<i32>} : memref<128x128xf32, #tpu.memory_space<vmem>>, vector<128x128xf32>,
    return
  }
}

</mosaic_0001>

<sc_bundles>
// kernel: kernel.5.cloned.1.call-start
scs
__scs_entry_jumppad:
0x0: {  	(pc) =	sbr.rel $0x88, $3  }
0x1: {  	(tag) =	ssettag $0x0;
	lr =	simm.s32 $0x1  }
0x2: {  	[smem:$0x3F9F] =	sst lr;
	_ =	strace $0xD0000000  }
0x3: {  	_ = 	snop  }
0x4: {  	_ = 	snop  }
0x5: {  	_ = 	snop  }
0x6: {  	_ = 	snop  }
0x7: {  	_ = 	snop  }
__scs_overlays_trampoline_lowered:
0x8: {  	[smem:$0x3FAE] =	sst s0  }
0x9: {  	[smem:$0x3FAF] =	sst s1  }
0xa: {  	[smem:$0x3FB0] =	sst s2  }
0xb: {  	[smem:$0x3FB1] =	sst s3  }
0xc: {  	[smem:$0x3FB2] =	sst s4  }
0xd: {  	[smem:$0x3FB3] =	sst s5  }
0xe: {  	[smem:$0x3FB4] =	sst s6  }
0xf: {  	[smem:$0x3FB5] =	sst s7  }
0x10: {  	[smem:$0x3FB6] =	sst s8  }
0x11: {  	[smem:$0x3FB7] =	sst s9;
	s0 =	simm.s32 @!p0 $0x0  }
0x12: {  	s1 =	sld [smem:$0x3F9D];
	s0 =	simm.s32 @p0 $0x1  }
0x13: {  	[smem:$0x3FB8] =	sst s0;
	s0 =	simm.s32 @!p1 $0x0  }
0x14: {  	s2 =	sld [smem:$0x3F9C];
	s0 =	simm.s32 @p1 $0x1  }
0x15: {  	[smem:$0x3FB9] =	sst s0;
	s0 =	simm.s32 @!p2 $0x0  }
0x16: {  	s3 =	sld [smem:$0x3FDB];
	s0 =	simm.s32 @p2 $0x1  }
0x17: {  	s4 =	simm.s32 $0x1BF5;
	[smem:$0x3FBB] =	sst s0  }
0x18: {  	s0 =	sld [smem:$0x3F9E];
	_ =	swait.ge [sflag:s4], $0x0  }
0x19: {  	s7 =	sld [smem:$0x3F9F]  }
0x1a: {  	s8 =	sadd.s32 $0xFFFFE003, lr  }
0x1b: {  	s9 =	sadd.s32 $0xFFFFFEF7, lr;
	s5 =	simm.s32 $0xFFFFFFFF;
	p2 =	slt.u32 s8, $0xFFFFF086  }
0x1c: {  	p1 =	slt.u32 s9, $0xF7A;
	s5 =	simm.s32 @!p2 $0x0  }
0x1d: {  	s5 =	simm.s32 @p1 $0x1;
	p0 =	seq.s32 s7, s2  }
0x1e: {  	s7 =	smul.u32 @!p0 $0xF7A, s2;
	p2 =	seq.s32 @!p0 s5, $0x0  }
0x1f: {  	s9 =	smul.u32 $0xF7A, s1;
	s8 =	simm.s32 @!p0 $0x1BF5;
	p2 =	por !p2, p0  }
0x20: {  	[sflag:s8] =	ssyncset.s32 @!p0 $0xFFFFF086;
	s6 =	sadd.s32 @!p0 s3, s7;
	s7 =	simm.s32 @!p0 $0x108  }
0x21: {  	s3 =	sadd.s32 s3, s9;
	s6 =	sadd.s32 @!p0 $0x88, s6;
	s7 =	simm.s32 @p2 $0x1082  }
0x22: {  	[simem:s7], [sflag:s8] =	dma.local @!p0 [hbm:s6], $0xF7A  }
0x23: {  	s9 =	sor.u32 $0xD0000000, s2;
	s6 =	simm.s32 $0x108;
	_ =	swait.ge @!p0 [sflag:s8], $0x0  }
0x24: {  	s3 =	sadd.s32 $0x88, s3;
	s6 =	simm.s32 @!p1 $0x1082;
	[sflag:s4] =	ssyncset.s32 $0xFFFFF086  }
0x25: {  	[simem:s6], [sflag:s4] =	dma.local [hbm:s3], $0xF7A  }
0x26: {  	[smem:$0x3F9F] =	sst s1;
	(tag) =	ssettag s2;
	_ =	strace s9  }
0x27: {  	s1 =	sld [smem:$0x3FAF]  }
0x28: {  	s2 =	sld [smem:$0x3FB0]  }
0x29: {  	s4 =	sld [smem:$0x3FB2]  }
0x2a: {  	p0 =	seq.s32 s5, $0x0;
	s5 =	sld [smem:$0x3FB3]  }
0x2b: {  	s6 =	sld [smem:$0x3FB4]  }
0x2c: {  	s7 =	sld [smem:$0x3FB5]  }
0x2d: {  	s3 =	simm.s32 $0x108;
	s8 =	sld [smem:$0x3FB6]  }
0x2e: {  	s3 =	simm.s32 @!p0 $0x1082;
	s9 =	sld [smem:$0x3FB7]  }
0x2f: {  	lr =	sadd.s32 s0, s3;
	s0 =	sld [smem:$0x3FAE]  }
0x30: {  	s3 =	sld [smem:$0x3FB1]  }
0x31: {  	[smem:$0x3FBA] =	sst s10  }
0x32: {  	s10 =	sld [smem:$0x3FB8];
	_ =	sdelay $0x3  }
0x33: {  	p0 =	seq.s32 s10, $0x1;
	s10 =	sld [smem:$0x3FBA];
	_ =	sdelay $0x3  }
0x34: {  	[smem:$0x3FBA] =	sst s10  }
0x35: {  	s10 =	sld [smem:$0x3FB9];
	_ =	sdelay $0x3  }
0x36: {  	p1 =	seq.s32 s10, $0x1;
	s10 =	sld [smem:$0x3FBA];
	_ =	sdelay $0x3  }
0x37: {  	[smem:$0x3FBA] =	sst s10  }
0x38: {  	s10 =	sld [smem:$0x3FBB]  }
0x39: {  	_ = 	snop;
	(pc) =	sbr.ind lr, $3  }
0x3a: {  	_ = 	snop  }
0x3b: {  	_ = 	snop  }
0x3c: {  	p2 =	seq.s32 s10, $0x1;
	s10 =	sld [smem:$0x3FBA]  }
0x3d: {  	_ =	shalt  }
0x3e: {  	_ =	shalt  }
0x3f: {  	_ =	shalt  }
0x40: {  	_ =	shalt  }
0x41: {  	_ =	shalt  }
0x42: {  	_ =	shalt  }
0x43: {  	_ =	shalt  }
0x44: {  	_ =	shalt  }
0x45: {  	_ =	shalt  }
0x46: {  	_ =	shalt  }
0x47: {  	_ =	shalt  }
0x48: {  	_ =	shalt  }
0x49: {  	_ =	shalt  }
0x4a: {  	_ =	shalt  }
0x4b: {  	_ =	shalt  }
0x4c: {  	_ =	shalt  }
0x4d: {  	_ =	shalt  }
0x4e: {  	_ =	shalt  }
0x4f: {  	_ =	shalt  }
0x50: {  	_ =	shalt  }
0x51: {  	_ =	shalt  }
0x52: {  	_ =	shalt  }
0x53: {  	_ =	shalt  }
0x54: {  	_ =	shalt  }
0x55: {  	_ =	shalt  }
0x56: {  	_ =	shalt  }
0x57: {  	_ =	shalt  }
0x58: {  	_ =	shalt  }
0x59: {  	_ =	shalt  }
0x5a: {  	_ =	shalt  }
0x5b: {  	_ =	shalt  }
0x5c: {  	_ =	shalt  }
0x5d: {  	_ =	shalt  }
0x5e: {  	_ =	shalt  }
0x5f: {  	_ =	shalt  }
0x60: {  	_ =	shalt  }
0x61: {  	_ =	shalt  }
0x62: {  	_ =	shalt  }
0x63: {  	_ =	shalt  }
0x64: {  	_ =	shalt  }
0x65: {  	_ =	shalt  }
0x66: {  	_ =	shalt  }
0x67: {  	_ =	shalt  }
0x68: {  	_ =	shalt  }
0x69: {  	_ =	shalt  }
0x6a: {  	_ =	shalt  }
0x6b: {  	_ =	shalt  }
0x6c: {  	_ =	shalt  }
0x6d: {  	_ =	shalt  }
0x6e: {  	_ =	shalt  }
0x6f: {  	_ =	shalt  }
0x70: {  	_ =	shalt  }
0x71: {  	_ =	shalt  }
0x72: {  	_ =	shalt  }
0x73: {  	_ =	shalt  }
0x74: {  	_ =	shalt  }
0x75: {  	_ =	shalt  }
0x76: {  	_ =	shalt  }
0x77: {  	_ =	shalt  }
0x78: {  	_ =	shalt  }
0x79: {  	_ =	shalt  }
0x7a: {  	_ =	shalt  }
0x7b: {  	_ =	shalt  }
0x7c: {  	_ =	shalt  }
0x7d: {  	_ =	shalt  }
0x7e: {  	_ =	shalt  }
0x7f: {  	_ =	shalt  }
0x80: {  	_ =	shalt  }
0x81: {  	_ =	shalt  }
0x82: {  	_ =	shalt  }
0x83: {  	_ =	shalt  }
0x84: {  	_ =	shalt  }
0x85: {  	_ =	shalt  }
0x86: {  	_ =	shalt  }
0x87: {  	_ =	shalt  }
.Lfunc_end0:
.L_simem_size_0:
called_computation_lowered:
.L_overlay_start_0:
0x88: {  	s0 =	sld [smem:$0x3FD9]  }
0x89: {  	s1 =	sld [smem:$0x3FFE];
	_ =	sdelay $0x3  }
0x8a: {  	s0 =	sadd.s32 s1, s0  }
0x8b: {  	[smem:$0x3FC6] =	sst s0  }
0x8c: {  	_ = 	snop  }
0x8d: {  	s0 =	sld [smem:$0x3FC9]  }
0x8e: {  	s17 =	sld [smem:$0x3FC8]  }
0x8f: {  	s2 =	sld [smem:$0x3FD0];
	(tm) =	ssettm $0x1  }
0x90: {  	s3 =	sld [smem:$0x3FFB];
	_ =	sdelay $0x3  }
0x91: {  	_ =	strace s3  }
0x92: {  	s3 =	sld [smem:$0x3FFC];
	_ =	sdelay $0x3  }
0x93: {  	_ =	strace s3  }
0x94: {  	s3 =	sld [smem:$0x3FFD];
	_ =	sdelay $0x3  }
0x95: {  	_ =	strace s3  }
0x96: {  	_ =	strace $0x8FFFFFFF  }
0x97: {  	s18 =	sld [smem:$0x3FDB];
	_ =	sdelay $0x1  }
0x98: {  	s4 =	simm.s32 $_scs_section_size  }
0x99: {  	s5 =	simm.s32 $_size__tile_overlayer_lowered;
	s6 =	simm.s32 $_tile_overlayer_lowered  }
0x9a: {  	s21 =	simm.s32 $0x1BFF;
	s20 =	sshll.u32 s6, $0x1;
	s3 =	sadd.s32 s4, s18  }
0x9b: {  	s7 =	simm.s32 $0x0;
	s19 =	sshll.u32 s5, $0x1;
	s5 =	sadd.s32 s20, s3  }
0x9c: {  	[timem:s7], [sflag:s21] =	dma.local [hbm:s5], s19  }
0x9d: {  	_ =	swait.ge [sflag:s21], s19  }
0x9e: {  	s4 =	ssub.s32 $0x0, s19;
	[sflag:s21] =	ssyncset.done $0x0  }
0x9f: {  	[sflag:s21] =	ssyncadd.s32 s4;
	_ =	sdelay $0x1  }
0xa0: {  	s22 =	simm.s32 $0x1B8B  }
0xa1: {  	_ =	swait.ge [sflag:s22], $0x1  }
0xa2: {  	[sflag:s22] =	ssyncset.done $0x0  }
0xa3: {  	s23 =	simm.s32 $0x1B8E;
	[sflag:s22] =	ssyncadd.s32 $0xFFFFFFFF  }
0xa4: {  	s24 =	simm.s32 $execute0_lowered;
	[smem:$0x3FD2] =	sst s23  }
0xa5: {  	s4 =	sshll.u32 s24, $0x1;
	_ =	strace $0x80000046;
	[dreg:$0x1] =	wrdreg $0xFFFFFFFF  }
0xa6: {  	s25 =	simm.s32 $_size_execute0_lowered;
	s3 =	sadd.s32 s3, s4;
	[dreg:$0x0] =	wrdreg $0x0  }
0xa7: {  	s4 =	sshll.u32 s25, $0x1;
	[dreg:$0x2] =	wrdreg s3  }
0xa8: {  	[dreg:$0x3] =	wrdreg s4  }
0xa9: {  	[dreg:$0x4] =	wrdreg $0xC0  }
0xaa: {  	_ =	task [dreg:s7], $0x5FFFF  }
0xab: {  	[dreg:$0x1] =	wrdreg $0xFFFFFFFF  }
0xac: {  	[dreg:$0x0] =	wrdreg $0x60  }
0xad: {  	[dreg:$0x2] =	wrdreg s0  }
0xae: {  	[dreg:$0x3] =	wrdreg s17  }
0xaf: {  	[dreg:$0x4] =	wrdreg s2  }
0xb0: {  	[dreg:$0x5] =	wrdreg $0x9  }
0xb1: {  	_ =	task.clear_ibuf [dreg:s7], $0x6FFFF;
	_ =	strace $0x90000046  }
0xb2: {  	s26 =	simm.s32 $0x9;
	_ =	strace $0x80000048  }
0xb3: {  	_ =	swait.ge [sflag:s26], $0x1  }
0xb4: {  	[sflag:s26] =	ssyncadd.s32 $0xFFFFFFFF  }
0xb5: {  	_ =	strace $0x90000048  }
0xb6: {  	_ =	sfence  }
0xb7: {  	s28 =	sld [smem:$0x0];
	_ =	sdelay $0x1  }
0xb8: {  	s29 =	srdreg.scid  }
0xb9: {  	s30 =	sshll.u32 s29, $0xD;
	s31 =	sshrl.u32 s29, $0x2  }
0xba: {  	s1 =	sand.u32 $0x1, s29;
	s2 =	sand.u32 $0x4000, s30;
	s0 =	sadd.s32 s31, s28  }
0xbb: {  	s1 =	sor.u32 s2, s1;
	s0 =	sshll.u32 s0, $0x11  }
0xbc: {  	s0 =	sor.u32 s0, s1  }
0xbd: {  	s0 =	sadd.s32 $0x8F2B, s0  }
0xbe: {  	[sflag:s0] =	ssyncadd.remote.s32 $0x1  }
0xbf: {  	_ =	sfence.sel $0xFFFF  }
0xc0: {  	[dreg:$0x0] =	wrdreg $0xFFFFFFFF;
	(pc) =	sbr.abs _section_cstart, $3  }
0xc1: {  	[dreg:$0x1] =	wrdreg $0xFFFFFFFF  }
0xc2: {  	_ =	task.clear_ibuf [dreg:s7], $0x2FFFF;
	_ =	strace $0x9FFFFFFF  }
0xc3: {  	(tm) =	ssettm $0x7FFFFFFF  }
tec
execute0_lowered:
.L_overlay_start_1:
0x0: {  	(tag) =	ssettag $0x1  }
0x1: {  	s5 =	rddreg [dreg:$0x0]  }
0x2: {  	s3 =	rddreg [dreg:$0x1]  }
0x3: {  	s2 =	rddreg [dreg:$0x2]  }
0x4: {  	s0 =	rddreg [dreg:$0x3];
	s4 =	simm.s32 $0x0;
	s1 =	stileid.u32  }
0x5: {  	[smem:$0x7FF] =	sst s4;
	s6 =	sshll.u32 s1, $0xA  }
0x6: {  	s26 =	simm.s32 $0x2;
	_ =	strace $0x80000047;
	s5 =	sadd.s32 s5, s6  }
0x7: {  	[tilespmem:s4], [sflag:$0x2] =	stream.linear.gather [hbm4b:s5+s4], $0x2000, $0x38;
	[tilespmem:$0x2800] =	vst v63  }
0x8: {  	_ =	swait.ge [sflag:s26], $0x2000  }
0x9: {  	s28 =	sand.u32 $0x60, s4;
	s7 =	sand.u32 $0x1C00, s4;
	[sflag:s26] =	ssyncset.done $0x0  }
0xa: {  	s29 =	sor.u32 s28, s7;
	[sflag:s26] =	ssyncadd.s32 $0xFFFFE000  }
0xb: {  	v0 =	vld [tilespmem:s29+$0x0]  }
0xc: {  	v1 =	vld [tilespmem:s29+$0x80]  }
0xd: {  	v2 =	vld [tilespmem:s29+$0x180]  }
0xe: {  	v3 =	vld [tilespmem:s29+$0x100]  }
0xf: {  	v4 =	vld [tilespmem:s29+$0x200];
	_ =	sdelay $0x1  }
0x10: {  	v0 =	vshll.u32 v0, $0x8;
	v1 =	vshll.u32 v1, $0x4  }
0x11: {  	s30 =	sand.u32 $0xE00, s4;
	v0 =	vadd.s32 v0, v1  }
0x12: {  	s5 =	sshrl.u32 s30, $0x2;
	v1 =	vshll.u32 v2, $0x4;
	v0 =	vadd.s32 v3, v0  }
0x13: {  	s8 =	sor.u32 $0x2000, s5;
	v1 =	vadd.s32 v1, v4;
	v0 =	vshll.u32 v0, $0x8  }
0x14: {  	s9 =	sor.u32 $0x10, s28;
	s5 =	sor.u32 s28, s8;
	v0 =	vadd.s32 v0, v1  }
0x15: {  	s31 =	sor.u32 s9, s7;
	[tilespmem:s5+$0x0] =	vst v0  }
0x16: {  	v1 =	vld [tilespmem:s31+$0x0];
	_ =	sdelay $0x1  }
0x17: {  	v2 =	vld [tilespmem:s31+$0x80]  }
0x18: {  	v4 =	vld [tilespmem:s31+$0x180]  }
0x19: {  	v0 =	vld [tilespmem:s31+$0x100]  }
0x1a: {  	v3 =	vshll.u32 v1, $0x8;
	v1 =	vld [tilespmem:s31+$0x200];
	_ =	sdelay $0x1  }
0x1b: {  	v2 =	vshll.u32 v2, $0x4  }
0x1c: {  	s6 =	simm.s32 $0x0;
	s7 =	sor.u32 s9, s8;
	s5 =	simm.s32 $0x80;
	v3 =	vadd.s32 v3, v2;
	v2 =	vshll.u32 v4, $0x4  }
.LBB2_1:
0x1d: {  	p0 =	sne.s32 s5, $0xF80;
	v0 =	vadd.s32 v0, v3;
	s4 =	sadd.s32 $0x100, s4;
	s6 =	sadd.s32 $0x20, s6  }
0x1e: {  	s8 =	smov.u32 s5;
	s5 =	sadd.s32 $0x80, s5;
	v0 =	vshll.u32 v0, $0x8;
	v1 =	vadd.s32 v2, v1  }
0x1f: {  	s9 =	sand.u32 $0x60, s6;
	s10 =	sand.u32 $0x1C00, s4;
	v0 =	vadd.s32 v0, v1  }
0x20: {  	s11 =	sor.u32 s9, s10;
	s12 =	sor.u32 $0x10, s9;
	[tilespmem:s7+$0x0] =	vst v0  }
0x21: {  	v0 =	vld [tilespmem:s11+$0x180]  }
0x22: {  	v1 =	vld [tilespmem:s11+$0x0]  }
0x23: {  	v2 =	vld [tilespmem:s11+$0x80];
	_ =	sdelay $0x1  }
0x24: {  	v3 =	vld [tilespmem:s11+$0x100]  }
0x25: {  	v0 =	vshll.u32 v0, $0x4;
	v4 =	vld [tilespmem:s11+$0x200];
	_ =	sdelay $0x1  }
0x26: {  	v1 =	vshll.u32 v1, $0x8;
	v2 =	vshll.u32 v2, $0x4  }
0x27: {  	s7 =	sand.u32 $0xE00, s8;
	v1 =	vadd.s32 v1, v2  }
0x28: {  	s7 =	sshrl.u32 s7, $0x2;
	v1 =	vadd.s32 v3, v1  }
0x29: {  	s7 =	sor.u32 $0x2000, s7;
	v1 =	vshll.u32 v1, $0x8;
	v0 =	vadd.s32 v0, v4  }
0x2a: {  	s8 =	sor.u32 s9, s7;
	s7 =	sor.u32 s12, s7;
	v0 =	vadd.s32 v1, v0  }
0x2b: {  	[tilespmem:s8+$0x0] =	vst v0;
	s8 =	sor.u32 s12, s10  }
0x2c: {  	v2 =	vld [tilespmem:s8+$0x0]  }
0x2d: {  	v3 =	vld [tilespmem:s8+$0x80]  }
0x2e: {  	v4 =	vld [tilespmem:s8+$0x180]  }
.Ltmp0:
0x2f: {  	v0 =	vld [tilespmem:s8+$0x100];
	(pc) =	sbr.rel @p0 .LBB2_1-.Ltmp0, $4  }
0x30: {  	v1 =	vld [tilespmem:s8+$0x200]  }
0x31: {  	v2 =	vshll.u32 v2, $0x8  }
0x32: {  	v3 =	vshll.u32 v3, $0x4  }
0x33: {  	v3 =	vadd.s32 v2, v3;
	v2 =	vshll.u32 v4, $0x4  }
0x34: {  	v0 =	vadd.s32 v0, v3  }
0x35: {  	v0 =	vshll.u32 v0, $0x8;
	v1 =	vadd.s32 v2, v1  }
0x36: {  	v0 =	vadd.s32 v0, v1  }
0x37: {  	s4 =	simm.s32 $0x80;
	s5 =	simm.s32 $0x2000;
	s6 =	simm.s32 $0x2400;
	[tilespmem:s7+$0x0] =	vst v0  }
0x38: {  	[tilespmem:s6], [sflag:$0x1] =	stream.indirect.gather [hbm4b:s3+s4], $0x1, s5, s4, $0xb8;
	[tilespmem:$0x2800] =	vst v63  }
0x39: {  	s13 =	simm.s32 $0x2080;
	s14 =	simm.s32 $0x2480  }
0x3a: {  	[tilespmem:s14], [sflag:$0x1] =	stream.indirect.gather [hbm4b:s3+s4], $0x1, s13, s4, $0xb8;
	[tilespmem:$0x2800] =	vst v63  }
0x3b: {  	s15 =	simm.s32 $0x2100;
	s16 =	simm.s32 $0x2500  }
0x3c: {  	[tilespmem:s16], [sflag:$0x1] =	stream.indirect.gather [hbm4b:s3+s4], $0x1, s15, s4, $0xb8;
	[tilespmem:$0x2800] =	vst v63  }
0x3d: {  	s17 =	simm.s32 $0x2180;
	s18 =	simm.s32 $0x2580  }
0x3e: {  	[tilespmem:s18], [sflag:$0x1] =	stream.indirect.gather [hbm4b:s3+s4], $0x1, s17, s4, $0xb8;
	[tilespmem:$0x2800] =	vst v63  }
0x3f: {  	s19 =	simm.s32 $0x2200;
	s20 =	simm.s32 $0x2600  }
0x40: {  	[tilespmem:s20], [sflag:$0x1] =	stream.indirect.gather [hbm4b:s3+s4], $0x1, s19, s4, $0xb8;
	[tilespmem:$0x2800] =	vst v63  }
0x41: {  	s21 =	simm.s32 $0x2280;
	s22 =	simm.s32 $0x2680  }
0x42: {  	[tilespmem:s22], [sflag:$0x1] =	stream.indirect.gather [hbm4b:s3+s4], $0x1, s21, s4, $0xb8;
	[tilespmem:$0x2800] =	vst v63  }
0x43: {  	s23 =	simm.s32 $0x2300;
	s24 =	simm.s32 $0x2700  }
0x44: {  	[tilespmem:s24], [sflag:$0x1] =	stream.indirect.gather [hbm4b:s3+s4], $0x1, s23, s4, $0xb8;
	[tilespmem:$0x2800] =	vst v63  }
0x45: {  	s25 =	simm.s32 $0x2380;
	s26 =	simm.s32 $0x2780;
	s28 =	simm.s32 $0x1  }
0x46: {  	[tilespmem:s26], [sflag:$0x1] =	stream.indirect.gather [hbm4b:s3+s4], $0x1, s25, s4, $0xb8;
	[tilespmem:$0x2800] =	vst v63  }
0x47: {  	_ =	swait.ge [sflag:s28], $0x80  }
0x48: {  	[sflag:s28] =	ssyncset.done $0x0  }
0x49: {  	[sflag:s28] =	ssyncadd.s32 $0xFFFFFF80  }
0x4a: {  	_ =	swait.ge [sflag:s28], $0x80  }
0x4b: {  	[sflag:s28] =	ssyncset.done $0x0  }
0x4c: {  	[sflag:s28] =	ssyncadd.s32 $0xFFFFFF80  }
0x4d: {  	_ =	swait.ge [sflag:s28], $0x80  }
0x4e: {  	[sflag:s28] =	ssyncset.done $0x0  }
0x4f: {  	[sflag:s28] =	ssyncadd.s32 $0xFFFFFF80  }
0x50: {  	_ =	swait.ge [sflag:s28], $0x80  }
0x51: {  	[sflag:s28] =	ssyncset.done $0x0  }
0x52: {  	[sflag:s28] =	ssyncadd.s32 $0xFFFFFF80  }
0x53: {  	_ =	swait.ge [sflag:s28], $0x80  }
0x54: {  	[sflag:s28] =	ssyncset.done $0x0  }
0x55: {  	[sflag:s28] =	ssyncadd.s32 $0xFFFFFF80  }
0x56: {  	_ =	swait.ge [sflag:s28], $0x80  }
0x57: {  	[sflag:s28] =	ssyncset.done $0x0  }
0x58: {  	[sflag:s28] =	ssyncadd.s32 $0xFFFFFF80  }
0x59: {  	_ =	swait.ge [sflag:s28], $0x80  }
0x5a: {  	[sflag:s28] =	ssyncset.done $0x0  }
0x5b: {  	[sflag:s28] =	ssyncadd.s32 $0xFFFFFF80  }
0x5c: {  	_ =	swait.ge [sflag:s28], $0x80  }
0x5d: {  	s29 =	sshll.u32 s1, $0x7;
	s30 =	simm.s32 $0x0;
	[sflag:s28] =	ssyncset.done $0x0  }
0x5e: {  	s31 =	simm.s32 $0x2;
	s2 =	sadd.s32 s2, s29;
	[sflag:s28] =	ssyncadd.s32 $0xFFFFFF80  }
0x5f: {  	[hbm4b:s2+s30] =	stream.linear.scatter [tilespmem:s6], [sflag:$0x2], $0x400, $0x38;
	[tilespmem:$0x2800] =	vst v63  }
0x60: {  	_ =	swait.ge [sflag:s31], $0x400  }
0x61: {  	[sflag:s31] =	ssyncset.done $0x0  }
0x62: {  	[sflag:s31] =	ssyncadd.s32 $0xFFFFFC00  }
0x63: {  	_ =	sfence.sel $0x180000  }
0x64: {  	[bflag:$0x0] =	sbarrier.arrive $0xFFFF  }
0x65: {  	p0 =	sne.s32 s1, $0x0;
	_ =	strace $0x90000047  }
0x66: {  	s0 =	sadd.s32 @!p0 $0x100000, s0;
	[bflag:$0x2] =	sbarrier.arrive $0xFFFF  }
0x67: {  	[sflag:s0] =	ssyncadd.tile.s32 @!p0 $0x1;
	_ =	shalt  }
.Lfunc_end2:
_tile_overlayer_lowered:
.L_overlay_start_2:
0x68: {  	(tag) =	ssettag $0x2  }
0x69: {  	s0 =	rddreg [dreg:$0x0];
	s2 =	stileid.u32  }
0x6a: {  	s1 =	rddreg [dreg:$0x1];
	p0 =	sne.s32 s2, $0x0  }
0x6b: {  	s3 =	rddreg [dreg:$0x2];
	[bflag:$0x3] =	sbarrier.arrive $0xFFFF;
	s2 =	simm.s32 @!p0 $0x1C02  }
0x6c: {  	[timem:s3], [sflag:s2] =	dma.local @!p0 [hbm:s0], s1  }
0x6d: {  	s0 =	simm.s32 @!p0 $0x2  }
0x6e: {  	_ =	swait.ge @!p0 [sflag:s0], s1  }
0x6f: {  	s1 =	ssub.s32 @!p0 $0x0, s1;
	[sflag:s0] =	ssyncset.done @!p0 $0x0  }
0x70: {  	[sflag:s0] =	ssyncadd.s32 @!p0 s1  }
0x71: {  	[bflag:$0x3] =	sbarrier.arrive $0xFFFF  }
0x72: {  	_ =	shalt  }

</sc_bundles>
